<compile_context>
chip_gen: v7x
topology: tpu7x:2x2x1
jax: 0.10.2.dev20260603
libtpu: 0.0.44.dev20260713+nightly
codegen_flags: <defaults>
</compile_context>

<pallas_src>
import functools

import jax
import jax.numpy as jnp
from jax import lax
from jax.experimental import pallas as pl
from jax.experimental.pallas import tpu as pltpu
from jax.experimental.pallas import tpu_sc as plsc

N = 10000
D = 128
NC = 2
NS = 16
NW = NC * NS
NPAD = 10240
CHUNK = 112
NBUF = 3
BLK = 2048
GRID = 5
HALF = N // NC
ZR = 320
ZR_LAST = HALF - (NS - 1) * ZR


def _mesh():
  return plsc.VectorSubcoreMesh(
      core_axis_name="c", subcore_axis_name="s", num_cores=NC, num_subcores=NS
  )


def _nchunks_cap(e_per_tile):
  nch = -(-e_per_tile // CHUNK)
  return -(-nch // NBUF) * NBUF


def _make_deg_bucket_kernel(e_per_tile):
  n_vec = e_per_tile // 16
  out_slice = NPAD // NS
  ncap = _nchunks_cap(e_per_tile)
  cap = ncap * CHUNK

  @functools.partial(
      pl.kernel,
      out_type=(
          jax.ShapeDtypeStruct((NC, NPAD // D, D), jnp.float32),
          jax.ShapeDtypeStruct((NC, NW, cap), jnp.int32),
          jax.ShapeDtypeStruct((NC, NW, cap), jnp.int32),
          jax.ShapeDtypeStruct((NC, NW, 16), jnp.int32),
      ),
      mesh=_mesh(),
      scratch_types=[
          pltpu.VMEM((e_per_tile,), jnp.int32),
          pltpu.VMEM((e_per_tile,), jnp.int32),
          pltpu.VMEM((NPAD // D, D), jnp.float32),
          pltpu.VMEM((8, D), jnp.float32),
          pltpu.VMEM((NPAD // D,), jnp.int32),
          pltpu.VMEM((cap,), jnp.int32),
          pltpu.VMEM((cap,), jnp.int32),
          pltpu.VMEM((cap,), jnp.int32),
          pltpu.VMEM((cap,), jnp.int32),
          pltpu.VMEM((16,), jnp.int32),
          pltpu.VMEM((16,), jnp.int32),
          pltpu.VMEM_SHARED((NPAD // D, D), jnp.float32),
      ],
      compiler_params=pltpu.CompilerParams(needs_layout_passes=False),
  )
  def deg_kernel(src_hbm, dst_hbm, deg_out, srcb_out, dstb_out, cnt_out,
                 src_v, dst_v, hist_v, z_v, idx_v,
                 bs0, bd0, bs1, bd1, cnt0_v, cnt1_v, shared_deg):
    c = lax.axis_index("c")
    s = lax.axis_index("s")
    p = c * NS + s
    nrows = NPAD // D
    zrows = 8
    nztiles = nrows // zrows
    pltpu.sync_copy(src_hbm.at[pl.ds(p * e_per_tile, e_per_tile)], src_v)
    pltpu.sync_copy(dst_hbm.at[pl.ds(p * e_per_tile, e_per_tile)], dst_v)

    zeros16 = jnp.zeros((16,), jnp.float32)
    ones16 = jnp.ones((16,), jnp.float32)
    neg16 = jnp.full((16,), -1, jnp.int32)
    iota16 = lax.iota(jnp.int32, 16)

    def zero_body(i, carry):
      r = i // (D // 16)
      col = (i % (D // 16)) * 16
      hist_v[r, pl.ds(col, 16)] = zeros16

      @pl.when(i < zrows * (D // 16))
      def _():
        z_v[i // (D // 16), pl.ds((i % (D // 16)) * 16, 16)] = zeros16

      @pl.when(i < nrows // 16)
      def _():
        idx_v[pl.ds(i * 16, 16)] = iota16 + i * 16

      return carry

    lax.fori_loop(0, nrows * (D // 16), zero_body, 0)

    @pl.when(s < nztiles)
    def _zero_shared():
      pltpu.sync_copy(z_v, shared_deg.at[pl.ds(s * zrows, zrows)])

    def prefill_body(i, carry):
      sl = pl.ds(i * 16, 16)
      bs0[sl] = neg16
      bd0[sl] = neg16
      bs1[sl] = neg16
      bd1[sl] = neg16
      return carry

    lax.fori_loop(0, cap // 16, prefill_body, 0)

    def main_body(i, offs):
      off0, off1 = offs
      sl = pl.ds(i * 16, 16)
      dv = dst_v[sl]
      sv = src_v[sl]
      dvh = jnp.where(dv >= 0, dv, NPAD - 1)
      hi = lax.shift_right_logical(dvh, 7)
      lo = jnp.bitwise_and(dvh, D - 1)
      plsc.addupdate_scatter(hist_v, [hi, lo], ones16)
      m0 = jnp.logical_and(dv >= 0, dv < HALF)
      m1 = dv >= HALF
      plsc.store_compressed(bs0.at[pl.ds(off0, 16)], sv, mask=m0)
      plsc.store_compressed(bd0.at[pl.ds(off0, 16)], dv, mask=m0)
      plsc.store_compressed(bs1.at[pl.ds(off1, 16)], sv, mask=m1)
      plsc.store_compressed(bd1.at[pl.ds(off1, 16)], dv - HALF, mask=m1)
      n0 = jnp.max(plsc.all_reduce_population_count(m0))
      n1 = jnp.max(plsc.all_reduce_population_count(m1))
      return (off0 + n0, off1 + n1)

    off0, off1 = lax.fori_loop(
        0, n_vec, main_body, (jnp.int32(0), jnp.int32(0)))

    def round_chunks(off):
      nch = (off + (CHUNK - 1)) // CHUNK
      return (nch + (NBUF - 1)) // NBUF * NBUF

    cnt0_v[...] = jnp.full((16,), round_chunks(off0), jnp.int32)
    cnt1_v[...] = jnp.full((16,), round_chunks(off1), jnp.int32)

    pltpu.sync_copy(bs0, srcb_out.at[0, p])
    pltpu.sync_copy(bd0, dstb_out.at[0, p])
    pltpu.sync_copy(bs1, srcb_out.at[1, p])
    pltpu.sync_copy(bd1, dstb_out.at[1, p])
    pltpu.sync_copy(cnt0_v, cnt_out.at[0, p])
    pltpu.sync_copy(cnt1_v, cnt_out.at[1, p])

    plsc.subcore_barrier()
    pltpu.sync_copy(hist_v, shared_deg.at[idx_v], add=True)
    plsc.subcore_barrier()

    @pl.when(s < nztiles)
    def _write_deg():
      sl = pl.ds(s * zrows, zrows)
      pltpu.sync_copy(shared_deg.at[sl], deg_out.at[c, sl])

  return deg_kernel


def _matmul_body(x_ref, w_ref, deg_ref, g_ref):
  dsum = deg_ref[0, 0, :] + deg_ref[0, 1, :] + 1.0
  dinv = lax.rsqrt(dsum)
  h = jnp.dot(x_ref[...], w_ref[...], preferred_element_type=jnp.float32)
  g_ref[...] = h * dinv[:, None]


def _matmul_scaled(x, w, deg):
  deg3 = deg.reshape(NC, GRID, BLK).transpose(1, 0, 2)
  return pl.pallas_call(
      _matmul_body,
      grid=(GRID,),
      in_specs=[
          pl.BlockSpec((BLK, D), lambda i: (i, 0)),
          pl.BlockSpec((D, D), lambda i: (0, 0)),
          pl.BlockSpec((1, NC, BLK), lambda i: (i, 0, 0)),
      ],
      out_specs=pl.BlockSpec((BLK, D), lambda i: (i, 0)),
      out_shape=jax.ShapeDtypeStruct((N, D), jnp.float32),
  )(x, w, deg3)


def _make_agg_kernel(e_per_tile):
  ncap = _nchunks_cap(e_per_tile)
  cap = ncap * CHUNK

  @functools.partial(
      pl.kernel,
      out_type=jax.ShapeDtypeStruct((N, D), jnp.float32),
      mesh=_mesh(),
      scratch_types=[
          pltpu.VMEM((2 * ncap, CHUNK), jnp.int32),
          pltpu.VMEM((2 * ncap, CHUNK), jnp.int32),
          pltpu.VMEM((2, 16), jnp.int32),
          pltpu.VMEM((NBUF, CHUNK, D), jnp.float32),
          pltpu.SemaphoreType.DMA((NBUF,)),
          pltpu.SemaphoreType.DMA((NBUF,)),
          pltpu.VMEM_SHARED((HALF, D), jnp.float32),
      ],
      compiler_params=pltpu.CompilerParams(needs_layout_passes=False),
  )
  def agg_kernel(g_hbm, srcb_hbm, dstb_hbm, cnt_hbm, zero_hbm, acc_out,
                 src_v, dst_v, cnt_v, rows, gsem, ssem, acc_sh):
    c = lax.axis_index("c")
    s = lax.axis_index("s")

    @pl.when(s < NS - 1)
    def _zero_full():
      pltpu.sync_copy(zero_hbm, acc_sh.at[pl.ds(s * ZR, ZR)])

    @pl.when(s == NS - 1)
    def _zero_last():
      pltpu.sync_copy(zero_hbm.at[pl.ds(0, ZR_LAST)],
                      acc_sh.at[pl.ds(s * ZR, ZR_LAST)])

    pltpu.sync_copy(srcb_hbm.at[c, s], src_v)
    pltpu.sync_copy(dstb_hbm.at[c, s], dst_v)
    pltpu.sync_copy(cnt_hbm.at[c, s], cnt_v)
    plsc.subcore_barrier()

    nch0 = jnp.max(cnt_v[0, :])
    nch1 = jnp.max(cnt_v[1, :])
    nch_tot = nch0 + nch1

    def row(j):
      return jnp.where(j < nch0, j, j + (ncap - nch0))

    def gather(j, b):
      idx = plsc.Indices(src_v.at[row(j)], ignored_value=-1)
      pltpu.async_copy(g_hbm.at[idx], rows.at[b], gsem.at[b])

    def wait_gather(b):
      idx = plsc.Indices(src_v.at[0], ignored_value=-1)
      pltpu.make_async_copy(g_hbm.at[idx], rows.at[b], gsem.at[b]).wait()

    def scatter_add(j, b):
      idx = plsc.Indices(dst_v.at[row(j)], ignored_value=-1)
      pltpu.async_copy(rows.at[b], acc_sh.at[idx], ssem.at[b], add=True)

    def wait_scatter(b):
      idx = plsc.Indices(dst_v.at[0], ignored_value=-1)
      pltpu.make_async_copy(rows.at[b], acc_sh.at[idx], ssem.at[b]).wait()

    @pl.when(nch_tot > 0)
    def _process():
      def prime_body(b, carry):
        gather(b, b)
        return carry

      lax.fori_loop(0, NBUF, prime_body, 0)

      def group_body(grp, carry):
        base = grp * NBUF

        def fire_body(b, carry2):
          wait_gather(b)
          scatter_add(base + b, b)
          return carry2

        lax.fori_loop(0, NBUF, fire_body, 0)

        def refill_body(b, carry2):
          j = base + NBUF + b

          @pl.when(j < nch_tot)
          def _refill():
            wait_scatter(b)
            gather(j, b)

          return carry2

        lax.fori_loop(0, NBUF, refill_body, 0)
        return carry

      lax.fori_loop(0, nch_tot // NBUF, group_body, 0)

      def drain_body(b, carry):
        wait_scatter(b)
        return carry

      lax.fori_loop(0, NBUF, drain_body, 0)

    plsc.subcore_barrier()
    @pl.when(s < NS - 1)
    def _write_full():
      pltpu.sync_copy(acc_sh.at[pl.ds(s * ZR, ZR)],
                      acc_out.at[pl.ds(c * HALF + s * ZR, ZR)])

    @pl.when(s == NS - 1)
    def _write_last():
      pltpu.sync_copy(acc_sh.at[pl.ds(s * ZR, ZR_LAST)],
                      acc_out.at[pl.ds(c * HALF + s * ZR, ZR_LAST)])

  return agg_kernel


def _final_body(acc_ref, g_ref, deg_ref, b_ref, out_ref):
  dsum = deg_ref[0, 0, :] + deg_ref[0, 1, :] + 1.0
  dinv = lax.rsqrt(dsum)
  tot = acc_ref[...] + g_ref[...]
  out_ref[...] = jnp.maximum(tot * dinv[:, None] + b_ref[...][None, :], 0.0)


def _finalize(acc, g, deg, b):
  deg3 = deg.reshape(NC, GRID, BLK).transpose(1, 0, 2)
  return pl.pallas_call(
      _final_body,
      grid=(GRID,),
      in_specs=[
          pl.BlockSpec((BLK, D), lambda i: (i, 0)),
          pl.BlockSpec((BLK, D), lambda i: (i, 0)),
          pl.BlockSpec((1, NC, BLK), lambda i: (i, 0, 0)),
          pl.BlockSpec((D,), lambda i: (0,)),
      ],
      out_specs=pl.BlockSpec((BLK, D), lambda i: (i, 0)),
      out_shape=jax.ShapeDtypeStruct((N, D), jnp.float32),
  )(acc, g, deg3, b)


def kernel(x, edge_index, W, b):
  E = edge_index.shape[1]
  ei = edge_index.astype(jnp.int32)

  e_pad = -(-E // (NW * 16)) * (NW * 16)
  e_per_tile = e_pad // NW
  src = jnp.concatenate([ei[0], jnp.zeros((e_pad - E,), jnp.int32)])
  dst = jnp.concatenate([ei[1], jnp.full((e_pad - E,), -1, jnp.int32)])

  deg, srcb, dstb, cnt = _make_deg_bucket_kernel(e_per_tile)(src, dst)
  deg = deg.reshape(NC, NPAD)
  g = _matmul_scaled(x, W, deg)
  zeros = jnp.zeros((ZR, D), jnp.float32)
  ncap = _nchunks_cap(e_per_tile)
  srcb4 = srcb.reshape(NC, NS, 2 * ncap, CHUNK)
  dstb4 = dstb.reshape(NC, NS, 2 * ncap, CHUNK)
  cnt4 = cnt.reshape(NC, NS, 2, 16)
  acc = _make_agg_kernel(e_per_tile)(g, srcb4, dstb4, cnt4, zeros)
  return _finalize(acc, g, deg, b)

# --- scband reference (transcript-rebuilt; emitter-appended) ---
"""Pipeline reference for scband-crd-5789615915289 (READ-ONLY COPY).

The authoritative reference and input builder live on the scoring server;
editing this copy changes nothing except your own understanding.
"""

import jax, jax.numpy as jnp
import numpy as np

N = 10000
E = 320000
D_IN = 128
D_OUT = 128


def setup_inputs(seed: int = 0) -> dict:
    key = jax.random.key(seed)
    k1, k2, k3 = jax.random.split(key, 3)
    x = jax.random.normal(k1, (N, D_IN), dtype=jnp.float32)
    edge_index = jax.random.randint(k2, (2, E), 0, N)
    W = jax.random.normal(k3, (D_IN, D_OUT), dtype=jnp.float32) * (1.0 / np.sqrt(D_IN))
    b = jnp.zeros((D_OUT,), dtype=jnp.float32)
    return {"x": x, "edge_index": edge_index, "W": W, "b": b}


def reference(x, edge_index, W, b):
    # CRD.forward: GCN-style graph convolution -> ReLU -> dropout(identity in eval)
    n = x.shape[0]
    loop = jnp.arange(n, dtype=edge_index.dtype)
    src = jnp.concatenate([edge_index[0], loop])  # add self-loops
    dst = jnp.concatenate([edge_index[1], loop])
    h = x @ W  # linear transform
    deg = jnp.zeros((n,), dtype=x.dtype).at[dst].add(1.0)
    dinv = jax.lax.rsqrt(jnp.clip(deg, 1.0))
    norm = dinv[src] * dinv[dst]  # symmetric D^-1/2 (A+I) D^-1/2 normalization
    msg = h[src] * norm[:, None]  # gather + scale
    out = jnp.zeros((n, h.shape[1]), dtype=x.dtype).at[dst].add(msg)  # scatter-add aggregation
    out = out + b
    out = jax.nn.relu(out)
    # F.dropout with training=False semantics for a deterministic reference: identity
    return out

if __name__ == "__main__":
    import jax
    _d = setup_inputs()
    print(jax.jit(kernel)(*tuple(_d.values())))

</pallas_src>

<mosaic_0001>
#map = affine_map<(d0, d1) -> (0, 0)>
#map1 = affine_map<(d0, d1) -> (0, 0, 0, 0)>
module attributes {stable_mosaic.version = 14 : i64} {
  func.func @agg_kernel(%arg0: i32, %arg1: i32, %arg2: memref<10000x128xf32, #tpu.memory_space<hbm>>, %arg3: memref<2x16x180x112xi32, #tpu.memory_space<hbm>>, %arg4: memref<2x16x180x112xi32, #tpu.memory_space<hbm>>, %arg5: memref<2x16x2x16xi32, #tpu.memory_space<hbm>>, %arg6: memref<320x128xf32, #tpu.memory_space<hbm>>, %arg7: memref<10000x128xf32, #tpu.memory_space<hbm>>, %arg8: memref<180x112xi32, #tpu.memory_space<vmem>>, %arg9: memref<180x112xi32, #tpu.memory_space<vmem>>, %arg10: memref<2x16xi32, #tpu.memory_space<vmem>>, %arg11: memref<3x112x128xf32, #tpu.memory_space<vmem>>, %arg12: memref<3x!tpu.dma_semaphore, #tpu.memory_space<semaphore_mem>>, %arg13: memref<3x!tpu.dma_semaphore, #tpu.memory_space<semaphore_mem>>, %arg14: memref<5000x128xf32, #tpu.memory_space<vmem_shared>>) attributes {dimension_semantics = [#tpu.dimension_semantics<core_parallel>, #tpu.dimension_semantics<subcore_parallel>], iteration_bounds = array<i64: 2, 16>, scalar_prefetch = 0 : i64, scratch_operands = 7 : i64, tpu.core_type = #tpu.core_type<sc_vector_subcore>, window_params = [{transform_indices = #map}, {transform_indices = #map1}, {transform_indices = #map1}, {transform_indices = #map1}, {transform_indices = #map}, {transform_indices = #map}]} {
    %lt3A = arith.constant 15 : i32
    %lt3A_0 = arith.cmpi slt, %arg1, %lt3A : i32
    %convert_element_type3A = arith.extui %lt3A_0 : i1 to i32
    %cond3A = arith.constant 0 : i32
    %cond3A_1 = arith.cmpi ne, %convert_element_type3A, %cond3A : i32
    scf.if %cond3A_1 {
      %mul3A = arith.constant 320 : i32
      %mul3A_43 = arith.muli %arg1, %mul3A : i32
      "tpu.region"() ({
        %run_scoped3A = tpu.sem_alloc : memref<!tpu.dma_semaphore, #tpu.memory_space<semaphore_mem>>
        %dma_start3A = arith.constant 0 : i32
        %dma_start3A_44 = tpu.memref_slice %arg14[%mul3A_43, %dma_start3A] : memref<5000x128xf32, #tpu.memory_space<vmem_shared>> -> memref<320x128xf32, #tpu.memory_space<vmem_shared>>
        tpu.enqueue_dma source(%arg6 : memref<320x128xf32, #tpu.memory_space<hbm>>) target(%dma_start3A_44 : memref<320x128xf32, #tpu.memory_space<vmem_shared>>) target_semaphore(%run_scoped3A : memref<!tpu.dma_semaphore, #tpu.memory_space<semaphore_mem>>)
        %dma_wait3A = arith.constant 0 : i32
        %dma_wait3A_45 = tpu.memref_slice %arg14[%mul3A_43, %dma_wait3A] : memref<5000x128xf32, #tpu.memory_space<vmem_shared>> -> memref<320x128xf32, #tpu.memory_space<vmem_shared>>
        tpu.wait_dma2 semaphore(%run_scoped3A : memref<!tpu.dma_semaphore, #tpu.memory_space<semaphore_mem>>) src(%arg6 : memref<320x128xf32, #tpu.memory_space<hbm>>) dst(%dma_wait3A_45 : memref<320x128xf32, #tpu.memory_space<vmem_shared>>)
        tpu.yield
      }) : () -> ()
    } else {
    }
    %eq3A = arith.constant 15 : i32
    %eq3A_2 = arith.cmpi eq, %arg1, %eq3A : i32
    %convert_element_type3A_3 = arith.extui %eq3A_2 : i1 to i32
    %cond3A_4 = arith.constant 0 : i32
    %cond3A_5 = arith.cmpi ne, %convert_element_type3A_3, %cond3A_4 : i32
    scf.if %cond3A_5 {
      %mul3A = arith.constant 320 : i32
      %mul3A_43 = arith.muli %arg1, %mul3A : i32
      "tpu.region"() ({
        %run_scoped3A = tpu.sem_alloc : memref<!tpu.dma_semaphore, #tpu.memory_space<semaphore_mem>>
        %dma_start3A = arith.constant 0 : i32
        %dma_start3A_44 = tpu.memref_slice %arg14[%mul3A_43, %dma_start3A] : memref<5000x128xf32, #tpu.memory_space<vmem_shared>> -> memref<200x128xf32, #tpu.memory_space<vmem_shared>>
        %dma_start3A_45 = arith.constant 0 : i32
        %dma_start3A_46 = arith.constant 0 : i32
        %dma_start3A_47 = tpu.memref_slice %arg6[%dma_start3A_45, %dma_start3A_46] : memref<320x128xf32, #tpu.memory_space<hbm>> -> memref<200x128xf32, #tpu.memory_space<hbm>>
        tpu.enqueue_dma source(%dma_start3A_47 : memref<200x128xf32, #tpu.memory_space<hbm>>) target(%dma_start3A_44 : memref<200x128xf32, #tpu.memory_space<vmem_shared>>) target_semaphore(%run_scoped3A : memref<!tpu.dma_semaphore, #tpu.memory_space<semaphore_mem>>)
        %dma_wait3A = arith.constant 0 : i32
        %dma_wait3A_48 = tpu.memref_slice %arg14[%mul3A_43, %dma_wait3A] : memref<5000x128xf32, #tpu.memory_space<vmem_shared>> -> memref<200x128xf32, #tpu.memory_space<vmem_shared>>
        %dma_wait3A_49 = arith.constant 0 : i32
        %dma_wait3A_50 = arith.constant 0 : i32
        %dma_wait3A_51 = tpu.memref_slice %arg6[%dma_wait3A_49, %dma_wait3A_50] : memref<320x128xf32, #tpu.memory_space<hbm>> -> memref<200x128xf32, #tpu.memory_space<hbm>>
        tpu.wait_dma2 semaphore(%run_scoped3A : memref<!tpu.dma_semaphore, #tpu.memory_space<semaphore_mem>>) src(%dma_wait3A_51 : memref<200x128xf32, #tpu.memory_space<hbm>>) dst(%dma_wait3A_48 : memref<200x128xf32, #tpu.memory_space<vmem_shared>>)
        tpu.yield
      }) : () -> ()
    } else {
    }
    "tpu.region"() ({
      %run_scoped3A = tpu.sem_alloc : memref<!tpu.dma_semaphore, #tpu.memory_space<semaphore_mem>>
      %dma_start3A = arith.constant 0 : i32
      %dma_start3A_43 = arith.constant 0 : i32
      %dma_start3A_44 = tpu.memref_slice %arg3[%arg0, %arg1, %dma_start3A, %dma_start3A_43] : memref<2x16x180x112xi32, #tpu.memory_space<hbm>> -> memref<1x1x180x112xi32, #tpu.memory_space<hbm>>
      %dma_start3A_45 = tpu.memref_squeeze %dma_start3A_44 : memref<1x1x180x112xi32, #tpu.memory_space<hbm>> -> memref<180x112xi32, #tpu.memory_space<hbm>>
      %dma_start3A_46 = arith.constant 0 : i32
      %dma_start3A_47 = arith.constant 0 : i32
      %dma_start3A_48 = tpu.memref_slice %arg3[%arg0, %arg1, %dma_start3A_46, %dma_start3A_47] : memref<2x16x180x112xi32, #tpu.memory_space<hbm>> -> memref<1x1x180x112xi32, #tpu.memory_space<hbm>>
      %dma_start3A_49 = tpu.memref_squeeze %dma_start3A_48 : memref<1x1x180x112xi32, #tpu.memory_space<hbm>> -> memref<180x112xi32, #tpu.memory_space<hbm>>
      tpu.enqueue_dma source(%dma_start3A_49 : memref<180x112xi32, #tpu.memory_space<hbm>>) target(%arg8 : memref<180x112xi32, #tpu.memory_space<vmem>>) target_semaphore(%run_scoped3A : memref<!tpu.dma_semaphore, #tpu.memory_space<semaphore_mem>>)
      %dma_wait3A = arith.constant 0 : i32
      %dma_wait3A_50 = arith.constant 0 : i32
      %dma_wait3A_51 = tpu.memref_slice %arg3[%arg0, %arg1, %dma_wait3A, %dma_wait3A_50] : memref<2x16x180x112xi32, #tpu.memory_space<hbm>> -> memref<1x1x180x112xi32, #tpu.memory_space<hbm>>
      %dma_wait3A_52 = tpu.memref_squeeze %dma_wait3A_51 : memref<1x1x180x112xi32, #tpu.memory_space<hbm>> -> memref<180x112xi32, #tpu.memory_space<hbm>>
      %dma_wait3A_53 = arith.constant 0 : i32
      %dma_wait3A_54 = arith.constant 0 : i32
      %dma_wait3A_55 = tpu.memref_slice %arg3[%arg0, %arg1, %dma_wait3A_53, %dma_wait3A_54] : memref<2x16x180x112xi32, #tpu.memory_space<hbm>> -> memref<1x1x180x112xi32, #tpu.memory_space<hbm>>
      %dma_wait3A_56 = tpu.memref_squeeze %dma_wait3A_55 : memref<1x1x180x112xi32, #tpu.memory_space<hbm>> -> memref<180x112xi32, #tpu.memory_space<hbm>>
      tpu.wait_dma2 semaphore(%run_scoped3A : memref<!tpu.dma_semaphore, #tpu.memory_space<semaphore_mem>>) src(%dma_wait3A_56 : memref<180x112xi32, #tpu.memory_space<hbm>>) dst(%arg8 : memref<180x112xi32, #tpu.memory_space<vmem>>)
      tpu.yield
    }) : () -> ()
    "tpu.region"() ({
      %run_scoped3A = tpu.sem_alloc : memref<!tpu.dma_semaphore, #tpu.memory_space<semaphore_mem>>
      %dma_start3A = arith.constant 0 : i32
      %dma_start3A_43 = arith.constant 0 : i32
      %dma_start3A_44 = tpu.memref_slice %arg4[%arg0, %arg1, %dma_start3A, %dma_start3A_43] : memref<2x16x180x112xi32, #tpu.memory_space<hbm>> -> memref<1x1x180x112xi32, #tpu.memory_space<hbm>>
      %dma_start3A_45 = tpu.memref_squeeze %dma_start3A_44 : memref<1x1x180x112xi32, #tpu.memory_space<hbm>> -> memref<180x112xi32, #tpu.memory_space<hbm>>
      %dma_start3A_46 = arith.constant 0 : i32
      %dma_start3A_47 = arith.constant 0 : i32
      %dma_start3A_48 = tpu.memref_slice %arg4[%arg0, %arg1, %dma_start3A_46, %dma_start3A_47] : memref<2x16x180x112xi32, #tpu.memory_space<hbm>> -> memref<1x1x180x112xi32, #tpu.memory_space<hbm>>
      %dma_start3A_49 = tpu.memref_squeeze %dma_start3A_48 : memref<1x1x180x112xi32, #tpu.memory_space<hbm>> -> memref<180x112xi32, #tpu.memory_space<hbm>>
      tpu.enqueue_dma source(%dma_start3A_49 : memref<180x112xi32, #tpu.memory_space<hbm>>) target(%arg9 : memref<180x112xi32, #tpu.memory_space<vmem>>) target_semaphore(%run_scoped3A : memref<!tpu.dma_semaphore, #tpu.memory_space<semaphore_mem>>)
      %dma_wait3A = arith.constant 0 : i32
      %dma_wait3A_50 = arith.constant 0 : i32
      %dma_wait3A_51 = tpu.memref_slice %arg4[%arg0, %arg1, %dma_wait3A, %dma_wait3A_50] : memref<2x16x180x112xi32, #tpu.memory_space<hbm>> -> memref<1x1x180x112xi32, #tpu.memory_space<hbm>>
      %dma_wait3A_52 = tpu.memref_squeeze %dma_wait3A_51 : memref<1x1x180x112xi32, #tpu.memory_space<hbm>> -> memref<180x112xi32, #tpu.memory_space<hbm>>
      %dma_wait3A_53 = arith.constant 0 : i32
      %dma_wait3A_54 = arith.constant 0 : i32
      %dma_wait3A_55 = tpu.memref_slice %arg4[%arg0, %arg1, %dma_wait3A_53, %dma_wait3A_54] : memref<2x16x180x112xi32, #tpu.memory_space<hbm>> -> memref<1x1x180x112xi32, #tpu.memory_space<hbm>>
      %dma_wait3A_56 = tpu.memref_squeeze %dma_wait3A_55 : memref<1x1x180x112xi32, #tpu.memory_space<hbm>> -> memref<180x112xi32, #tpu.memory_space<hbm>>
      tpu.wait_dma2 semaphore(%run_scoped3A : memref<!tpu.dma_semaphore, #tpu.memory_space<semaphore_mem>>) src(%dma_wait3A_56 : memref<180x112xi32, #tpu.memory_space<hbm>>) dst(%arg9 : memref<180x112xi32, #tpu.memory_space<vmem>>)
      tpu.yield
    }) : () -> ()
    "tpu.region"() ({
      %run_scoped3A = tpu.sem_alloc : memref<!tpu.dma_semaphore, #tpu.memory_space<semaphore_mem>>
      %dma_start3A = arith.constant 0 : i32
      %dma_start3A_43 = arith.constant 0 : i32
      %dma_start3A_44 = tpu.memref_slice %arg5[%arg0, %arg1, %dma_start3A, %dma_start3A_43] : memref<2x16x2x16xi32, #tpu.memory_space<hbm>> -> memref<1x1x2x16xi32, #tpu.memory_space<hbm>>
      %dma_start3A_45 = tpu.memref_squeeze %dma_start3A_44 : memref<1x1x2x16xi32, #tpu.memory_space<hbm>> -> memref<2x16xi32, #tpu.memory_space<hbm>>
      %dma_start3A_46 = arith.constant 0 : i32
      %dma_start3A_47 = arith.constant 0 : i32
      %dma_start3A_48 = tpu.memref_slice %arg5[%arg0, %arg1, %dma_start3A_46, %dma_start3A_47] : memref<2x16x2x16xi32, #tpu.memory_space<hbm>> -> memref<1x1x2x16xi32, #tpu.memory_space<hbm>>
      %dma_start3A_49 = tpu.memref_squeeze %dma_start3A_48 : memref<1x1x2x16xi32, #tpu.memory_space<hbm>> -> memref<2x16xi32, #tpu.memory_space<hbm>>
      tpu.enqueue_dma source(%dma_start3A_49 : memref<2x16xi32, #tpu.memory_space<hbm>>) target(%arg10 : memref<2x16xi32, #tpu.memory_space<vmem>>) target_semaphore(%run_scoped3A : memref<!tpu.dma_semaphore, #tpu.memory_space<semaphore_mem>>)
      %dma_wait3A = arith.constant 0 : i32
      %dma_wait3A_50 = arith.constant 0 : i32
      %dma_wait3A_51 = tpu.memref_slice %arg5[%arg0, %arg1, %dma_wait3A, %dma_wait3A_50] : memref<2x16x2x16xi32, #tpu.memory_space<hbm>> -> memref<1x1x2x16xi32, #tpu.memory_space<hbm>>
      %dma_wait3A_52 = tpu.memref_squeeze %dma_wait3A_51 : memref<1x1x2x16xi32, #tpu.memory_space<hbm>> -> memref<2x16xi32, #tpu.memory_space<hbm>>
      %dma_wait3A_53 = arith.constant 0 : i32
      %dma_wait3A_54 = arith.constant 0 : i32
      %dma_wait3A_55 = tpu.memref_slice %arg5[%arg0, %arg1, %dma_wait3A_53, %dma_wait3A_54] : memref<2x16x2x16xi32, #tpu.memory_space<hbm>> -> memref<1x1x2x16xi32, #tpu.memory_space<hbm>>
      %dma_wait3A_56 = tpu.memref_squeeze %dma_wait3A_55 : memref<1x1x2x16xi32, #tpu.memory_space<hbm>> -> memref<2x16xi32, #tpu.memory_space<hbm>>
      tpu.wait_dma2 semaphore(%run_scoped3A : memref<!tpu.dma_semaphore, #tpu.memory_space<semaphore_mem>>) src(%dma_wait3A_56 : memref<2x16xi32, #tpu.memory_space<hbm>>) dst(%arg10 : memref<2x16xi32, #tpu.memory_space<vmem>>)
      tpu.yield
    }) : () -> ()
    %barrier3A = arith.constant 0 : index
    tpu.barrier barrier_id(%barrier3A)
    %get3A = arith.constant 0 : i32
    %get3A_6 = arith.index_cast %get3A : i32 to index
    %get3A_7 = arith.constant 0 : index
    %get3A_8 = tpu.vector_load %arg10[%get3A_6, %get3A_7] {strides = array<i32>} : memref<2x16xi32, #tpu.memory_space<vmem>>, vector<16xi32>,
    %reduce_max3A = arith.constant true
    %reduce_max3A_9 = vector.broadcast %reduce_max3A : i1 to vector<16xi1>
    %reduce_max3A_10 = arith.constant -2147483648 : i32
    %reduce_max3A_11 = vector.broadcast %reduce_max3A_10 : i32 to vector<16xi32>
    %reduce_max3A_12 = arith.xori %get3A_8, %reduce_max3A_11 : vector<16xi32>
    %reduce_max3A_13 = tpu.scan <max>, %reduce_max3A_12 masked %reduce_max3A_9 : vector<16xi32>, vector<16xi1> -> vector<16xi32>
    %reduce_max3A_14 = arith.xori %reduce_max3A_13, %reduce_max3A_11 : vector<16xi32>
    %reduce_max3A_15 = vector.extract %reduce_max3A_14[15] : i32 from vector<16xi32>
    %get3A_16 = arith.constant 1 : i32
    %get3A_17 = arith.index_cast %get3A_16 : i32 to index
    %get3A_18 = arith.constant 0 : index
    %get3A_19 = tpu.vector_load %arg10[%get3A_17, %get3A_18] {strides = array<i32>} : memref<2x16xi32, #tpu.memory_space<vmem>>, vector<16xi32>,
    %reduce_max3A_20 = arith.constant true
    %reduce_max3A_21 = vector.broadcast %reduce_max3A_20 : i1 to vector<16xi1>
    %reduce_max3A_22 = arith.constant -2147483648 : i32
    %reduce_max3A_23 = vector.broadcast %reduce_max3A_22 : i32 to vector<16xi32>
    %reduce_max3A_24 = arith.xori %get3A_19, %reduce_max3A_23 : vector<16xi32>
    %reduce_max3A_25 = tpu.scan <max>, %reduce_max3A_24 masked %reduce_max3A_21 : vector<16xi32>, vector<16xi1> -> vector<16xi32>
    %reduce_max3A_26 = arith.xori %reduce_max3A_25, %reduce_max3A_23 : vector<16xi32>
    %reduce_max3A_27 = vector.extract %reduce_max3A_26[15] : i32 from vector<16xi32>
    %add3A = arith.addi %reduce_max3A_15, %reduce_max3A_27 : i32
    %gt3A = arith.constant 0 : i32
    %gt3A_28 = arith.cmpi sgt, %add3A, %gt3A : i32
    %convert_element_type3A_29 = arith.extui %gt3A_28 : i1 to i32
    %cond3A_30 = arith.constant 0 : i32
    %cond3A_31 = arith.cmpi ne, %convert_element_type3A_29, %cond3A_30 : i32
    scf.if %cond3A_31 {
      %scan3A = arith.constant 0 : i32
      %scan3A_43 = arith.constant 0 : i32
      %scan3A_44 = arith.constant 3 : i32
      %scan3A_45 = arith.addi %scan3A_43, %scan3A_44 : i32
      %scan3A_46 = arith.constant 1 : i32
      scf.for %scan3A_79 = %scan3A_43 to %scan3A_45 step %scan3A_46  : i32 {
        %lt3A_80 = arith.cmpi slt, %scan3A_79, %reduce_max3A_15 : i32
        %sub3A_81 = arith.constant 90 : i32
        %sub3A_82 = arith.subi %sub3A_81, %reduce_max3A_15 : i32
        %add3A_83 = arith.addi %scan3A_79, %sub3A_82 : i32
        %select_n3A_84 = arith.select %lt3A_80, %scan3A_79, %add3A_83 : i32
        %dma_start3A = arith.constant 0 : i32
        %dma_start3A_85 = arith.constant 0 : i32
        %dma_start3A_86 = tpu.memref_slice %arg11[%scan3A_79, %dma_start3A, %dma_start3A_85] : memref<3x112x128xf32, #tpu.memory_space<vmem>> -> memref<1x112x128xf32, #tpu.memory_space<vmem>>
        %dma_start3A_87 = tpu.memref_squeeze %dma_start3A_86 : memref<1x112x128xf32, #tpu.memory_space<vmem>> -> memref<112x128xf32, #tpu.memory_space<vmem>>
        %dma_start3A_88 = arith.constant 0 : i32
        %dma_start3A_89 = tpu.memref_slice %arg8[%select_n3A_84, %dma_start3A_88] : memref<180x112xi32, #tpu.memory_space<vmem>> -> memref<1x112xi32, #tpu.memory_space<vmem>>
        %dma_start3A_90 = tpu.memref_squeeze %dma_start3A_89 : memref<1x112xi32, #tpu.memory_space<vmem>> -> memref<112xi32, #tpu.memory_space<vmem>>
        %dma_start3A_91 = arith.constant 0 : i32
        %dma_start3A_92 = arith.constant 0 : i32
        %dma_start3A_93 = tpu.memref_slice %arg2[%dma_start3A_91, %dma_start3A_92] : memref<10000x128xf32, #tpu.memory_space<hbm>> -> memref<10000x128xf32, #tpu.memory_space<hbm>>
        %dma_start3A_94 = arith.constant -1 : i32
        %dma_start3A_95 = tpu.memref_slice %arg12[%scan3A_79] : memref<3x!tpu.dma_semaphore, #tpu.memory_space<semaphore_mem>> -> memref<1x!tpu.dma_semaphore, #tpu.memory_space<semaphore_mem>>
        %dma_start3A_96 = tpu.memref_squeeze %dma_start3A_95 : memref<1x!tpu.dma_semaphore, #tpu.memory_space<semaphore_mem>> -> memref<!tpu.dma_semaphore, #tpu.memory_space<semaphore_mem>>
        tpu.enqueue_indirect_dma source(%dma_start3A_93 : memref<10000x128xf32, #tpu.memory_space<hbm>>) target(%dma_start3A_87 : memref<112x128xf32, #tpu.memory_space<vmem>>) offsets(%dma_start3A_90 : memref<112xi32, #tpu.memory_space<vmem>>) offset_filter(%dma_start3A_94) semaphore(%dma_start3A_96 : memref<!tpu.dma_semaphore, #tpu.memory_space<semaphore_mem>>)
      }
      %scan3A_47 = arith.constant 3 : i32
      %jit3A = arith.constant 3 : i32
      %div3A = arith.divsi %add3A, %jit3A : i32
      %sign3A = arith.constant 0 : i32
      %sign3A_48 = arith.cmpi sgt, %add3A, %sign3A : i32
      %sign3A_49 = arith.extui %sign3A_48 : i1 to i32
      %sign3A_50 = arith.constant 0 : i32
      %sign3A_51 = arith.cmpi slt, %add3A, %sign3A_50 : i32
      %sign3A_52 = arith.extui %sign3A_51 : i1 to i32
      %sign3A_53 = arith.subi %sign3A_49, %sign3A_52 : i32
      %sign3A_54 = arith.constant 0 : i32
      %sign3A_55 = arith.cmpi sgt, %jit3A, %sign3A_54 : i32
      %sign3A_56 = arith.extui %sign3A_55 : i1 to i32
      %sign3A_57 = arith.constant 0 : i32
      %sign3A_58 = arith.cmpi slt, %jit3A, %sign3A_57 : i32
      %sign3A_59 = arith.extui %sign3A_58 : i1 to i32
      %sign3A_60 = arith.subi %sign3A_56, %sign3A_59 : i32
      %ne3A = arith.cmpi ne, %sign3A_53, %sign3A_60 : i32
      %rem3A = arith.remsi %add3A, %jit3A : i32
      %ne3A_61 = arith.constant 0 : i32
      %ne3A_62 = arith.cmpi ne, %rem3A, %ne3A_61 : i32
      %and3A = arith.andi %ne3A, %ne3A_62 : i1
      %sub3A = arith.constant 1 : i32
      %sub3A_63 = arith.subi %div3A, %sub3A : i32
      %select_n3A = arith.select %and3A, %sub3A_63, %div3A : i32
      %while3A = arith.constant 0 : i32
      %while3A_64 = arith.constant 0 : i32
      %while3A_65 = arith.subi %select_n3A, %while3A_64 : i32
      %while3A_66 = arith.addi %while3A_64, %while3A_65 : i32
      %while3A_67 = arith.constant 1 : i32
      %while3A_68 = arith.divsi %while3A_65, %while3A_67 : i32
      %while3A_69 = arith.muli %while3A_68, %while3A_67 : i32
      %while3A_70 = arith.addi %while3A_64, %while3A_69 : i32
      %while3A_71 = arith.constant 1 : i32
      scf.for %while3A_79 = %while3A_64 to %while3A_70 step %while3A_71  : i32 {
        %mul3A = arith.constant 3 : i32
        %mul3A_80 = arith.muli %while3A_79, %mul3A : i32
        %scan3A_81 = arith.constant 0 : i32
        %scan3A_82 = arith.constant 0 : i32
        %scan3A_83 = arith.constant 3 : i32
        %scan3A_84 = arith.addi %scan3A_82, %scan3A_83 : i32
        %scan3A_85 = arith.constant 1 : i32
        scf.for %scan3A_93 = %scan3A_82 to %scan3A_84 step %scan3A_85  : i32 {
          %dma_wait3A = arith.constant 0 : i32
          %dma_wait3A_94 = arith.constant 0 : i32
          %dma_wait3A_95 = arith.constant 0 : i32
          %dma_wait3A_96 = tpu.memref_slice %arg11[%scan3A_93, %dma_wait3A_94, %dma_wait3A_95] : memref<3x112x128xf32, #tpu.memory_space<vmem>> -> memref<1x112x128xf32, #tpu.memory_space<vmem>>
          %dma_wait3A_97 = tpu.memref_squeeze %dma_wait3A_96 : memref<1x112x128xf32, #tpu.memory_space<vmem>> -> memref<112x128xf32, #tpu.memory_space<vmem>>
          %dma_wait3A_98 = arith.constant 0 : i32
          %dma_wait3A_99 = tpu.memref_slice %arg8[%dma_wait3A, %dma_wait3A_98] : memref<180x112xi32, #tpu.memory_space<vmem>> -> memref<1x112xi32, #tpu.memory_space<vmem>>
          %dma_wait3A_100 = tpu.memref_squeeze %dma_wait3A_99 : memref<1x112xi32, #tpu.memory_space<vmem>> -> memref<112xi32, #tpu.memory_space<vmem>>
          %dma_wait3A_101 = arith.constant 0 : i32
          %dma_wait3A_102 = arith.constant 0 : i32
          %dma_wait3A_103 = tpu.memref_slice %arg2[%dma_wait3A_101, %dma_wait3A_102] : memref<10000x128xf32, #tpu.memory_space<hbm>> -> memref<10000x128xf32, #tpu.memory_space<hbm>>
          %dma_wait3A_104 = tpu.memref_slice %arg12[%scan3A_93] : memref<3x!tpu.dma_semaphore, #tpu.memory_space<semaphore_mem>> -> memref<1x!tpu.dma_semaphore, #tpu.memory_space<semaphore_mem>>
          %dma_wait3A_105 = tpu.memref_squeeze %dma_wait3A_104 : memref<1x!tpu.dma_semaphore, #tpu.memory_space<semaphore_mem>> -> memref<!tpu.dma_semaphore, #tpu.memory_space<semaphore_mem>>
          tpu.wait_indirect_dma semaphore(%dma_wait3A_105 : memref<!tpu.dma_semaphore, #tpu.memory_space<semaphore_mem>>) src(%dma_wait3A_103 : memref<10000x128xf32, #tpu.memory_space<hbm>>) dst(%dma_wait3A_97 : memref<112x128xf32, #tpu.memory_space<vmem>>)
          %add3A_106 = arith.addi %mul3A_80, %scan3A_93 : i32
          %lt3A_107 = arith.cmpi slt, %add3A_106, %reduce_max3A_15 : i32
          %sub3A_108 = arith.constant 90 : i32
          %sub3A_109 = arith.subi %sub3A_108, %reduce_max3A_15 : i32
          %add3A_110 = arith.addi %add3A_106, %sub3A_109 : i32
          %select_n3A_111 = arith.select %lt3A_107, %add3A_106, %add3A_110 : i32
          %dma_start3A = arith.constant 0 : i32
          %dma_start3A_112 = arith.constant 0 : i32
          %dma_start3A_113 = tpu.memref_slice %arg11[%scan3A_93, %dma_start3A, %dma_start3A_112] : memref<3x112x128xf32, #tpu.memory_space<vmem>> -> memref<1x112x128xf32, #tpu.memory_space<vmem>>
          %dma_start3A_114 = tpu.memref_squeeze %dma_start3A_113 : memref<1x112x128xf32, #tpu.memory_space<vmem>> -> memref<112x128xf32, #tpu.memory_space<vmem>>
          %dma_start3A_115 = arith.constant 0 : i32
          %dma_start3A_116 = tpu.memref_slice %arg9[%select_n3A_111, %dma_start3A_115] : memref<180x112xi32, #tpu.memory_space<vmem>> -> memref<1x112xi32, #tpu.memory_space<vmem>>
          %dma_start3A_117 = tpu.memref_squeeze %dma_start3A_116 : memref<1x112xi32, #tpu.memory_space<vmem>> -> memref<112xi32, #tpu.memory_space<vmem>>
          %dma_start3A_118 = arith.constant 0 : i32
          %dma_start3A_119 = arith.constant 0 : i32
          %dma_start3A_120 = tpu.memref_slice %arg14[%dma_start3A_118, %dma_start3A_119] : memref<5000x128xf32, #tpu.memory_space<vmem_shared>> -> memref<5000x128xf32, #tpu.memory_space<vmem_shared>>
          %dma_start3A_121 = arith.constant -1 : i32
          %dma_start3A_122 = tpu.memref_slice %arg13[%scan3A_93] : memref<3x!tpu.dma_semaphore, #tpu.memory_space<semaphore_mem>> -> memref<1x!tpu.dma_semaphore, #tpu.memory_space<semaphore_mem>>
          %dma_start3A_123 = tpu.memref_squeeze %dma_start3A_122 : memref<1x!tpu.dma_semaphore, #tpu.memory_space<semaphore_mem>> -> memref<!tpu.dma_semaphore, #tpu.memory_space<semaphore_mem>>
          tpu.enqueue_indirect_dma source(%dma_start3A_114 : memref<112x128xf32, #tpu.memory_space<vmem>>) target(%dma_start3A_120 : memref<5000x128xf32, #tpu.memory_space<vmem_shared>>) offsets(%dma_start3A_117 : memref<112xi32, #tpu.memory_space<vmem>>) offset_filter(%dma_start3A_121) semaphore(%dma_start3A_123 : memref<!tpu.dma_semaphore, #tpu.memory_space<semaphore_mem>>) {add = true}
        }
        %scan3A_86 = arith.constant 3 : i32
        %scan3A_87 = arith.constant 0 : i32
        %scan3A_88 = arith.constant 0 : i32
        %scan3A_89 = arith.constant 3 : i32
        %scan3A_90 = arith.addi %scan3A_88, %scan3A_89 : i32
        %scan3A_91 = arith.constant 1 : i32
        scf.for %scan3A_93 = %scan3A_88 to %scan3A_90 step %scan3A_91  : i32 {
          %add3A_94 = arith.constant 3 : i32
          %add3A_95 = arith.addi %mul3A_80, %add3A_94 : i32
          %add3A_96 = arith.addi %add3A_95, %scan3A_93 : i32
          %lt3A_97 = arith.cmpi slt, %add3A_96, %add3A : i32
          %convert_element_type3A_98 = arith.extui %lt3A_97 : i1 to i32
          %cond3A_99 = arith.constant 0 : i32
          %cond3A_100 = arith.cmpi ne, %convert_element_type3A_98, %cond3A_99 : i32
          scf.if %cond3A_100 {
            %dma_wait3A = arith.constant 0 : i32
            %dma_wait3A_101 = arith.constant 0 : i32
            %dma_wait3A_102 = arith.constant 0 : i32
            %dma_wait3A_103 = tpu.memref_slice %arg11[%scan3A_93, %dma_wait3A_101, %dma_wait3A_102] : memref<3x112x128xf32, #tpu.memory_space<vmem>> -> memref<1x112x128xf32, #tpu.memory_space<vmem>>
            %dma_wait3A_104 = tpu.memref_squeeze %dma_wait3A_103 : memref<1x112x128xf32, #tpu.memory_space<vmem>> -> memref<112x128xf32, #tpu.memory_space<vmem>>
            %dma_wait3A_105 = arith.constant 0 : i32
            %dma_wait3A_106 = tpu.memref_slice %arg9[%dma_wait3A, %dma_wait3A_105] : memref<180x112xi32, #tpu.memory_space<vmem>> -> memref<1x112xi32, #tpu.memory_space<vmem>>
            %dma_wait3A_107 = tpu.memref_squeeze %dma_wait3A_106 : memref<1x112xi32, #tpu.memory_space<vmem>> -> memref<112xi32, #tpu.memory_space<vmem>>
            %dma_wait3A_108 = arith.constant 0 : i32
            %dma_wait3A_109 = arith.constant 0 : i32
            %dma_wait3A_110 = tpu.memref_slice %arg14[%dma_wait3A_108, %dma_wait3A_109] : memref<5000x128xf32, #tpu.memory_space<vmem_shared>> -> memref<5000x128xf32, #tpu.memory_space<vmem_shared>>
            %dma_wait3A_111 = tpu.memref_slice %arg13[%scan3A_93] : memref<3x!tpu.dma_semaphore, #tpu.memory_space<semaphore_mem>> -> memref<1x!tpu.dma_semaphore, #tpu.memory_space<semaphore_mem>>
            %dma_wait3A_112 = tpu.memref_squeeze %dma_wait3A_111 : memref<1x!tpu.dma_semaphore, #tpu.memory_space<semaphore_mem>> -> memref<!tpu.dma_semaphore, #tpu.memory_space<semaphore_mem>>
            tpu.wait_indirect_dma semaphore(%dma_wait3A_112 : memref<!tpu.dma_semaphore, #tpu.memory_space<semaphore_mem>>) src(%dma_wait3A_104 : memref<112x128xf32, #tpu.memory_space<vmem>>) dst(%dma_wait3A_110 : memref<5000x128xf32, #tpu.memory_space<vmem_shared>>)
            %lt3A_113 = arith.cmpi slt, %add3A_96, %reduce_max3A_15 : i32
            %sub3A_114 = arith.constant 90 : i32
            %sub3A_115 = arith.subi %sub3A_114, %reduce_max3A_15 : i32
            %add3A_116 = arith.addi %add3A_96, %sub3A_115 : i32
            %select_n3A_117 = arith.select %lt3A_113, %add3A_96, %add3A_116 : i32
            %dma_start3A = arith.constant 0 : i32
            %dma_start3A_118 = arith.constant 0 : i32
            %dma_start3A_119 = tpu.memref_slice %arg11[%scan3A_93, %dma_start3A, %dma_start3A_118] : memref<3x112x128xf32, #tpu.memory_space<vmem>> -> memref<1x112x128xf32, #tpu.memory_space<vmem>>
            %dma_start3A_120 = tpu.memref_squeeze %dma_start3A_119 : memref<1x112x128xf32, #tpu.memory_space<vmem>> -> memref<112x128xf32, #tpu.memory_space<vmem>>
            %dma_start3A_121 = arith.constant 0 : i32
            %dma_start3A_122 = tpu.memref_slice %arg8[%select_n3A_117, %dma_start3A_121] : memref<180x112xi32, #tpu.memory_space<vmem>> -> memref<1x112xi32, #tpu.memory_space<vmem>>
            %dma_start3A_123 = tpu.memref_squeeze %dma_start3A_122 : memref<1x112xi32, #tpu.memory_space<vmem>> -> memref<112xi32, #tpu.memory_space<vmem>>
            %dma_start3A_124 = arith.constant 0 : i32
            %dma_start3A_125 = arith.constant 0 : i32
            %dma_start3A_126 = tpu.memref_slice %arg2[%dma_start3A_124, %dma_start3A_125] : memref<10000x128xf32, #tpu.memory_space<hbm>> -> memref<10000x128xf32, #tpu.memory_space<hbm>>
            %dma_start3A_127 = arith.constant -1 : i32
            %dma_start3A_128 = tpu.memref_slice %arg12[%scan3A_93] : memref<3x!tpu.dma_semaphore, #tpu.memory_space<semaphore_mem>> -> memref<1x!tpu.dma_semaphore, #tpu.memory_space<semaphore_mem>>
            %dma_start3A_129 = tpu.memref_squeeze %dma_start3A_128 : memref<1x!tpu.dma_semaphore, #tpu.memory_space<semaphore_mem>> -> memref<!tpu.dma_semaphore, #tpu.memory_space<semaphore_mem>>
            tpu.enqueue_indirect_dma source(%dma_start3A_126 : memref<10000x128xf32, #tpu.memory_space<hbm>>) target(%dma_start3A_120 : memref<112x128xf32, #tpu.memory_space<vmem>>) offsets(%dma_start3A_123 : memref<112xi32, #tpu.memory_space<vmem>>) offset_filter(%dma_start3A_127) semaphore(%dma_start3A_129 : memref<!tpu.dma_semaphore, #tpu.memory_space<semaphore_mem>>)
          } else {
          }
        }
        %scan3A_92 = arith.constant 3 : i32
      }
      %while3A_72 = arith.constant 1 : i32
      scf.for %while3A_79 = %while3A_70 to %while3A_66 step %while3A_72  : i32 {
        %mul3A = arith.constant 3 : i32
        %mul3A_80 = arith.muli %while3A_79, %mul3A : i32
        %scan3A_81 = arith.constant 0 : i32
        %scan3A_82 = arith.constant 0 : i32
        %scan3A_83 = arith.constant 3 : i32
        %scan3A_84 = arith.addi %scan3A_82, %scan3A_83 : i32
        %scan3A_85 = arith.constant 1 : i32
        scf.for %scan3A_93 = %scan3A_82 to %scan3A_84 step %scan3A_85  : i32 {
          %dma_wait3A = arith.constant 0 : i32
          %dma_wait3A_94 = arith.constant 0 : i32
          %dma_wait3A_95 = arith.constant 0 : i32
          %dma_wait3A_96 = tpu.memref_slice %arg11[%scan3A_93, %dma_wait3A_94, %dma_wait3A_95] : memref<3x112x128xf32, #tpu.memory_space<vmem>> -> memref<1x112x128xf32, #tpu.memory_space<vmem>>
          %dma_wait3A_97 = tpu.memref_squeeze %dma_wait3A_96 : memref<1x112x128xf32, #tpu.memory_space<vmem>> -> memref<112x128xf32, #tpu.memory_space<vmem>>
          %dma_wait3A_98 = arith.constant 0 : i32
          %dma_wait3A_99 = tpu.memref_slice %arg8[%dma_wait3A, %dma_wait3A_98] : memref<180x112xi32, #tpu.memory_space<vmem>> -> memref<1x112xi32, #tpu.memory_space<vmem>>
          %dma_wait3A_100 = tpu.memref_squeeze %dma_wait3A_99 : memref<1x112xi32, #tpu.memory_space<vmem>> -> memref<112xi32, #tpu.memory_space<vmem>>
          %dma_wait3A_101 = arith.constant 0 : i32
          %dma_wait3A_102 = arith.constant 0 : i32
          %dma_wait3A_103 = tpu.memref_slice %arg2[%dma_wait3A_101, %dma_wait3A_102] : memref<10000x128xf32, #tpu.memory_space<hbm>> -> memref<10000x128xf32, #tpu.memory_space<hbm>>
          %dma_wait3A_104 = tpu.memref_slice %arg12[%scan3A_93] : memref<3x!tpu.dma_semaphore, #tpu.memory_space<semaphore_mem>> -> memref<1x!tpu.dma_semaphore, #tpu.memory_space<semaphore_mem>>
          %dma_wait3A_105 = tpu.memref_squeeze %dma_wait3A_104 : memref<1x!tpu.dma_semaphore, #tpu.memory_space<semaphore_mem>> -> memref<!tpu.dma_semaphore, #tpu.memory_space<semaphore_mem>>
          tpu.wait_indirect_dma semaphore(%dma_wait3A_105 : memref<!tpu.dma_semaphore, #tpu.memory_space<semaphore_mem>>) src(%dma_wait3A_103 : memref<10000x128xf32, #tpu.memory_space<hbm>>) dst(%dma_wait3A_97 : memref<112x128xf32, #tpu.memory_space<vmem>>)
          %add3A_106 = arith.addi %mul3A_80, %scan3A_93 : i32
          %lt3A_107 = arith.cmpi slt, %add3A_106, %reduce_max3A_15 : i32
          %sub3A_108 = arith.constant 90 : i32
          %sub3A_109 = arith.subi %sub3A_108, %reduce_max3A_15 : i32
          %add3A_110 = arith.addi %add3A_106, %sub3A_109 : i32
          %select_n3A_111 = arith.select %lt3A_107, %add3A_106, %add3A_110 : i32
          %dma_start3A = arith.constant 0 : i32
          %dma_start3A_112 = arith.constant 0 : i32
          %dma_start3A_113 = tpu.memref_slice %arg11[%scan3A_93, %dma_start3A, %dma_start3A_112] : memref<3x112x128xf32, #tpu.memory_space<vmem>> -> memref<1x112x128xf32, #tpu.memory_space<vmem>>
          %dma_start3A_114 = tpu.memref_squeeze %dma_start3A_113 : memref<1x112x128xf32, #tpu.memory_space<vmem>> -> memref<112x128xf32, #tpu.memory_space<vmem>>
          %dma_start3A_115 = arith.constant 0 : i32
          %dma_start3A_116 = tpu.memref_slice %arg9[%select_n3A_111, %dma_start3A_115] : memref<180x112xi32, #tpu.memory_space<vmem>> -> memref<1x112xi32, #tpu.memory_space<vmem>>
          %dma_start3A_117 = tpu.memref_squeeze %dma_start3A_116 : memref<1x112xi32, #tpu.memory_space<vmem>> -> memref<112xi32, #tpu.memory_space<vmem>>
          %dma_start3A_118 = arith.constant 0 : i32
          %dma_start3A_119 = arith.constant 0 : i32
          %dma_start3A_120 = tpu.memref_slice %arg14[%dma_start3A_118, %dma_start3A_119] : memref<5000x128xf32, #tpu.memory_space<vmem_shared>> -> memref<5000x128xf32, #tpu.memory_space<vmem_shared>>
          %dma_start3A_121 = arith.constant -1 : i32
          %dma_start3A_122 = tpu.memref_slice %arg13[%scan3A_93] : memref<3x!tpu.dma_semaphore, #tpu.memory_space<semaphore_mem>> -> memref<1x!tpu.dma_semaphore, #tpu.memory_space<semaphore_mem>>
          %dma_start3A_123 = tpu.memref_squeeze %dma_start3A_122 : memref<1x!tpu.dma_semaphore, #tpu.memory_space<semaphore_mem>> -> memref<!tpu.dma_semaphore, #tpu.memory_space<semaphore_mem>>
          tpu.enqueue_indirect_dma source(%dma_start3A_114 : memref<112x128xf32, #tpu.memory_space<vmem>>) target(%dma_start3A_120 : memref<5000x128xf32, #tpu.memory_space<vmem_shared>>) offsets(%dma_start3A_117 : memref<112xi32, #tpu.memory_space<vmem>>) offset_filter(%dma_start3A_121) semaphore(%dma_start3A_123 : memref<!tpu.dma_semaphore, #tpu.memory_space<semaphore_mem>>) {add = true}
        }
        %scan3A_86 = arith.constant 3 : i32
        %scan3A_87 = arith.constant 0 : i32
        %scan3A_88 = arith.constant 0 : i32
        %scan3A_89 = arith.constant 3 : i32
        %scan3A_90 = arith.addi %scan3A_88, %scan3A_89 : i32
        %scan3A_91 = arith.constant 1 : i32
        scf.for %scan3A_93 = %scan3A_88 to %scan3A_90 step %scan3A_91  : i32 {
          %add3A_94 = arith.constant 3 : i32
          %add3A_95 = arith.addi %mul3A_80, %add3A_94 : i32
          %add3A_96 = arith.addi %add3A_95, %scan3A_93 : i32
          %lt3A_97 = arith.cmpi slt, %add3A_96, %add3A : i32
          %convert_element_type3A_98 = arith.extui %lt3A_97 : i1 to i32
          %cond3A_99 = arith.constant 0 : i32
          %cond3A_100 = arith.cmpi ne, %convert_element_type3A_98, %cond3A_99 : i32
          scf.if %cond3A_100 {
            %dma_wait3A = arith.constant 0 : i32
            %dma_wait3A_101 = arith.constant 0 : i32
            %dma_wait3A_102 = arith.constant 0 : i32
            %dma_wait3A_103 = tpu.memref_slice %arg11[%scan3A_93, %dma_wait3A_101, %dma_wait3A_102] : memref<3x112x128xf32, #tpu.memory_space<vmem>> -> memref<1x112x128xf32, #tpu.memory_space<vmem>>
            %dma_wait3A_104 = tpu.memref_squeeze %dma_wait3A_103 : memref<1x112x128xf32, #tpu.memory_space<vmem>> -> memref<112x128xf32, #tpu.memory_space<vmem>>
            %dma_wait3A_105 = arith.constant 0 : i32
            %dma_wait3A_106 = tpu.memref_slice %arg9[%dma_wait3A, %dma_wait3A_105] : memref<180x112xi32, #tpu.memory_space<vmem>> -> memref<1x112xi32, #tpu.memory_space<vmem>>
            %dma_wait3A_107 = tpu.memref_squeeze %dma_wait3A_106 : memref<1x112xi32, #tpu.memory_space<vmem>> -> memref<112xi32, #tpu.memory_space<vmem>>
            %dma_wait3A_108 = arith.constant 0 : i32
            %dma_wait3A_109 = arith.constant 0 : i32
            %dma_wait3A_110 = tpu.memref_slice %arg14[%dma_wait3A_108, %dma_wait3A_109] : memref<5000x128xf32, #tpu.memory_space<vmem_shared>> -> memref<5000x128xf32, #tpu.memory_space<vmem_shared>>
            %dma_wait3A_111 = tpu.memref_slice %arg13[%scan3A_93] : memref<3x!tpu.dma_semaphore, #tpu.memory_space<semaphore_mem>> -> memref<1x!tpu.dma_semaphore, #tpu.memory_space<semaphore_mem>>
            %dma_wait3A_112 = tpu.memref_squeeze %dma_wait3A_111 : memref<1x!tpu.dma_semaphore, #tpu.memory_space<semaphore_mem>> -> memref<!tpu.dma_semaphore, #tpu.memory_space<semaphore_mem>>
            tpu.wait_indirect_dma semaphore(%dma_wait3A_112 : memref<!tpu.dma_semaphore, #tpu.memory_space<semaphore_mem>>) src(%dma_wait3A_104 : memref<112x128xf32, #tpu.memory_space<vmem>>) dst(%dma_wait3A_110 : memref<5000x128xf32, #tpu.memory_space<vmem_shared>>)
            %lt3A_113 = arith.cmpi slt, %add3A_96, %reduce_max3A_15 : i32
            %sub3A_114 = arith.constant 90 : i32
            %sub3A_115 = arith.subi %sub3A_114, %reduce_max3A_15 : i32
            %add3A_116 = arith.addi %add3A_96, %sub3A_115 : i32
            %select_n3A_117 = arith.select %lt3A_113, %add3A_96, %add3A_116 : i32
            %dma_start3A = arith.constant 0 : i32
            %dma_start3A_118 = arith.constant 0 : i32
            %dma_start3A_119 = tpu.memref_slice %arg11[%scan3A_93, %dma_start3A, %dma_start3A_118] : memref<3x112x128xf32, #tpu.memory_space<vmem>> -> memref<1x112x128xf32, #tpu.memory_space<vmem>>
            %dma_start3A_120 = tpu.memref_squeeze %dma_start3A_119 : memref<1x112x128xf32, #tpu.memory_space<vmem>> -> memref<112x128xf32, #tpu.memory_space<vmem>>
            %dma_start3A_121 = arith.constant 0 : i32
            %dma_start3A_122 = tpu.memref_slice %arg8[%select_n3A_117, %dma_start3A_121] : memref<180x112xi32, #tpu.memory_space<vmem>> -> memref<1x112xi32, #tpu.memory_space<vmem>>
            %dma_start3A_123 = tpu.memref_squeeze %dma_start3A_122 : memref<1x112xi32, #tpu.memory_space<vmem>> -> memref<112xi32, #tpu.memory_space<vmem>>
            %dma_start3A_124 = arith.constant 0 : i32
            %dma_start3A_125 = arith.constant 0 : i32
            %dma_start3A_126 = tpu.memref_slice %arg2[%dma_start3A_124, %dma_start3A_125] : memref<10000x128xf32, #tpu.memory_space<hbm>> -> memref<10000x128xf32, #tpu.memory_space<hbm>>
            %dma_start3A_127 = arith.constant -1 : i32
            %dma_start3A_128 = tpu.memref_slice %arg12[%scan3A_93] : memref<3x!tpu.dma_semaphore, #tpu.memory_space<semaphore_mem>> -> memref<1x!tpu.dma_semaphore, #tpu.memory_space<semaphore_mem>>
            %dma_start3A_129 = tpu.memref_squeeze %dma_start3A_128 : memref<1x!tpu.dma_semaphore, #tpu.memory_space<semaphore_mem>> -> memref<!tpu.dma_semaphore, #tpu.memory_space<semaphore_mem>>
            tpu.enqueue_indirect_dma source(%dma_start3A_126 : memref<10000x128xf32, #tpu.memory_space<hbm>>) target(%dma_start3A_120 : memref<112x128xf32, #tpu.memory_space<vmem>>) offsets(%dma_start3A_123 : memref<112xi32, #tpu.memory_space<vmem>>) offset_filter(%dma_start3A_127) semaphore(%dma_start3A_129 : memref<!tpu.dma_semaphore, #tpu.memory_space<semaphore_mem>>)
          } else {
          }
        }
        %scan3A_92 = arith.constant 3 : i32
      }
      %scan3A_73 = arith.constant 0 : i32
      %scan3A_74 = arith.constant 0 : i32
      %scan3A_75 = arith.constant 3 : i32
      %scan3A_76 = arith.addi %scan3A_74, %scan3A_75 : i32
      %scan3A_77 = arith.constant 1 : i32
      scf.for %scan3A_79 = %scan3A_74 to %scan3A_76 step %scan3A_77  : i32 {
        %dma_wait3A = arith.constant 0 : i32
        %dma_wait3A_80 = arith.constant 0 : i32
        %dma_wait3A_81 = arith.constant 0 : i32
        %dma_wait3A_82 = tpu.memref_slice %arg11[%scan3A_79, %dma_wait3A_80, %dma_wait3A_81] : memref<3x112x128xf32, #tpu.memory_space<vmem>> -> memref<1x112x128xf32, #tpu.memory_space<vmem>>
        %dma_wait3A_83 = tpu.memref_squeeze %dma_wait3A_82 : memref<1x112x128xf32, #tpu.memory_space<vmem>> -> memref<112x128xf32, #tpu.memory_space<vmem>>
        %dma_wait3A_84 = arith.constant 0 : i32
        %dma_wait3A_85 = tpu.memref_slice %arg9[%dma_wait3A, %dma_wait3A_84] : memref<180x112xi32, #tpu.memory_space<vmem>> -> memref<1x112xi32, #tpu.memory_space<vmem>>
        %dma_wait3A_86 = tpu.memref_squeeze %dma_wait3A_85 : memref<1x112xi32, #tpu.memory_space<vmem>> -> memref<112xi32, #tpu.memory_space<vmem>>
        %dma_wait3A_87 = arith.constant 0 : i32
        %dma_wait3A_88 = arith.constant 0 : i32
        %dma_wait3A_89 = tpu.memref_slice %arg14[%dma_wait3A_87, %dma_wait3A_88] : memref<5000x128xf32, #tpu.memory_space<vmem_shared>> -> memref<5000x128xf32, #tpu.memory_space<vmem_shared>>
        %dma_wait3A_90 = tpu.memref_slice %arg13[%scan3A_79] : memref<3x!tpu.dma_semaphore, #tpu.memory_space<semaphore_mem>> -> memref<1x!tpu.dma_semaphore, #tpu.memory_space<semaphore_mem>>
        %dma_wait3A_91 = tpu.memref_squeeze %dma_wait3A_90 : memref<1x!tpu.dma_semaphore, #tpu.memory_space<semaphore_mem>> -> memref<!tpu.dma_semaphore, #tpu.memory_space<semaphore_mem>>
        tpu.wait_indirect_dma semaphore(%dma_wait3A_91 : memref<!tpu.dma_semaphore, #tpu.memory_space<semaphore_mem>>) src(%dma_wait3A_83 : memref<112x128xf32, #tpu.memory_space<vmem>>) dst(%dma_wait3A_89 : memref<5000x128xf32, #tpu.memory_space<vmem_shared>>)
      }
      %scan3A_78 = arith.constant 3 : i32
    } else {
    }
    %barrier3A_32 = arith.constant 0 : index
    tpu.barrier barrier_id(%barrier3A_32)
    %lt3A_33 = arith.constant 15 : i32
    %lt3A_34 = arith.cmpi slt, %arg1, %lt3A_33 : i32
    %convert_element_type3A_35 = arith.extui %lt3A_34 : i1 to i32
    %cond3A_36 = arith.constant 0 : i32
    %cond3A_37 = arith.cmpi ne, %convert_element_type3A_35, %cond3A_36 : i32
    scf.if %cond3A_37 {
      %mul3A = arith.constant 320 : i32
      %mul3A_43 = arith.muli %arg1, %mul3A : i32
      %mul3A_44 = arith.constant 5000 : i32
      %mul3A_45 = arith.muli %arg0, %mul3A_44 : i32
      %mul3A_46 = arith.constant 320 : i32
      %mul3A_47 = arith.muli %arg1, %mul3A_46 : i32
      %add3A_48 = arith.addi %mul3A_45, %mul3A_47 : i32
      "tpu.region"() ({
        %run_scoped3A = tpu.sem_alloc : memref<!tpu.dma_semaphore, #tpu.memory_space<semaphore_mem>>
        %dma_start3A = arith.constant 0 : i32
        %dma_start3A_49 = tpu.memref_slice %arg7[%add3A_48, %dma_start3A] : memref<10000x128xf32, #tpu.memory_space<hbm>> -> memref<320x128xf32, #tpu.memory_space<hbm>>
        %dma_start3A_50 = arith.constant 0 : i32
        %dma_start3A_51 = tpu.memref_slice %arg14[%mul3A_43, %dma_start3A_50] : memref<5000x128xf32, #tpu.memory_space<vmem_shared>> -> memref<320x128xf32, #tpu.memory_space<vmem_shared>>
        tpu.enqueue_dma source(%dma_start3A_51 : memref<320x128xf32, #tpu.memory_space<vmem_shared>>) target(%dma_start3A_49 : memref<320x128xf32, #tpu.memory_space<hbm>>) target_semaphore(%run_scoped3A : memref<!tpu.dma_semaphore, #tpu.memory_space<semaphore_mem>>)
        %dma_wait3A = arith.constant 0 : i32
        %dma_wait3A_52 = tpu.memref_slice %arg7[%add3A_48, %dma_wait3A] : memref<10000x128xf32, #tpu.memory_space<hbm>> -> memref<320x128xf32, #tpu.memory_space<hbm>>
        %dma_wait3A_53 = arith.constant 0 : i32
        %dma_wait3A_54 = tpu.memref_slice %arg14[%mul3A_43, %dma_wait3A_53] : memref<5000x128xf32, #tpu.memory_space<vmem_shared>> -> memref<320x128xf32, #tpu.memory_space<vmem_shared>>
        tpu.wait_dma2 semaphore(%run_scoped3A : memref<!tpu.dma_semaphore, #tpu.memory_space<semaphore_mem>>) src(%dma_wait3A_54 : memref<320x128xf32, #tpu.memory_space<vmem_shared>>) dst(%dma_wait3A_52 : memref<320x128xf32, #tpu.memory_space<hbm>>)
        tpu.yield
      }) : () -> ()
    } else {
    }
    %eq3A_38 = arith.constant 15 : i32
    %eq3A_39 = arith.cmpi eq, %arg1, %eq3A_38 : i32
    %convert_element_type3A_40 = arith.extui %eq3A_39 : i1 to i32
    %cond3A_41 = arith.constant 0 : i32
    %cond3A_42 = arith.cmpi ne, %convert_element_type3A_40, %cond3A_41 : i32
    scf.if %cond3A_42 {
      %mul3A = arith.constant 320 : i32
      %mul3A_43 = arith.muli %arg1, %mul3A : i32
      %mul3A_44 = arith.constant 5000 : i32
      %mul3A_45 = arith.muli %arg0, %mul3A_44 : i32
      %mul3A_46 = arith.constant 320 : i32
      %mul3A_47 = arith.muli %arg1, %mul3A_46 : i32
      %add3A_48 = arith.addi %mul3A_45, %mul3A_47 : i32
      "tpu.region"() ({
        %run_scoped3A = tpu.sem_alloc : memref<!tpu.dma_semaphore, #tpu.memory_space<semaphore_mem>>
        %dma_start3A = arith.constant 0 : i32
        %dma_start3A_49 = tpu.memref_slice %arg7[%add3A_48, %dma_start3A] : memref<10000x128xf32, #tpu.memory_space<hbm>> -> memref<200x128xf32, #tpu.memory_space<hbm>>
        %dma_start3A_50 = arith.constant 0 : i32
        %dma_start3A_51 = tpu.memref_slice %arg14[%mul3A_43, %dma_start3A_50] : memref<5000x128xf32, #tpu.memory_space<vmem_shared>> -> memref<200x128xf32, #tpu.memory_space<vmem_shared>>
        tpu.enqueue_dma source(%dma_start3A_51 : memref<200x128xf32, #tpu.memory_space<vmem_shared>>) target(%dma_start3A_49 : memref<200x128xf32, #tpu.memory_space<hbm>>) target_semaphore(%run_scoped3A : memref<!tpu.dma_semaphore, #tpu.memory_space<semaphore_mem>>)
        %dma_wait3A = arith.constant 0 : i32
        %dma_wait3A_52 = tpu.memref_slice %arg7[%add3A_48, %dma_wait3A] : memref<10000x128xf32, #tpu.memory_space<hbm>> -> memref<200x128xf32, #tpu.memory_space<hbm>>
        %dma_wait3A_53 = arith.constant 0 : i32
        %dma_wait3A_54 = tpu.memref_slice %arg14[%mul3A_43, %dma_wait3A_53] : memref<5000x128xf32, #tpu.memory_space<vmem_shared>> -> memref<200x128xf32, #tpu.memory_space<vmem_shared>>
        tpu.wait_dma2 semaphore(%run_scoped3A : memref<!tpu.dma_semaphore, #tpu.memory_space<semaphore_mem>>) src(%dma_wait3A_54 : memref<200x128xf32, #tpu.memory_space<vmem_shared>>) dst(%dma_wait3A_52 : memref<200x128xf32, #tpu.memory_space<hbm>>)
        tpu.yield
      }) : () -> ()
    } else {
    }
    return
  }
}

#map = affine_map<(d0, d1) -> (0)>
#map1 = affine_map<(d0, d1) -> (0, 0, 0)>
module attributes {stable_mosaic.version = 14 : i64} {
  func.func @deg_kernel(%arg0: i32, %arg1: i32, %arg2: memref<320000xi32, #tpu.memory_space<hbm>>, %arg3: memref<320000xi32, #tpu.memory_space<hbm>>, %arg4: memref<2x80x128xf32, #tpu.memory_space<hbm>>, %arg5: memref<2x32x10080xi32, #tpu.memory_space<hbm>>, %arg6: memref<2x32x10080xi32, #tpu.memory_space<hbm>>, %arg7: memref<2x32x16xi32, #tpu.memory_space<hbm>>, %arg8: memref<10000xi32, #tpu.memory_space<vmem>>, %arg9: memref<10000xi32, #tpu.memory_space<vmem>>, %arg10: memref<80x128xf32, #tpu.memory_space<vmem>>, %arg11: memref<8x128xf32, #tpu.memory_space<vmem>>, %arg12: memref<80xi32, #tpu.memory_space<vmem>>, %arg13: memref<10080xi32, #tpu.memory_space<vmem>>, %arg14: memref<10080xi32, #tpu.memory_space<vmem>>, %arg15: memref<10080xi32, #tpu.memory_space<vmem>>, %arg16: memref<10080xi32, #tpu.memory_space<vmem>>, %arg17: memref<16xi32, #tpu.memory_space<vmem>>, %arg18: memref<16xi32, #tpu.memory_space<vmem>>, %arg19: memref<80x128xf32, #tpu.memory_space<vmem_shared>>) attributes {dimension_semantics = [#tpu.dimension_semantics<core_parallel>, #tpu.dimension_semantics<subcore_parallel>], iteration_bounds = array<i64: 2, 16>, scalar_prefetch = 0 : i64, scratch_operands = 12 : i64, tpu.core_type = #tpu.core_type<sc_vector_subcore>, window_params = [{transform_indices = #map}, {transform_indices = #map}, {transform_indices = #map1}, {transform_indices = #map1}, {transform_indices = #map1}, {transform_indices = #map1}]} {
    %mul3A = arith.constant 16 : i32
    %mul3A_0 = arith.muli %arg0, %mul3A : i32
    %add3A = arith.addi %mul3A_0, %arg1 : i32
    %mul3A_1 = arith.constant 10000 : i32
    %mul3A_2 = arith.muli %add3A, %mul3A_1 : i32
    "tpu.region"() ({
      %run_scoped3A_147 = tpu.sem_alloc : memref<!tpu.dma_semaphore, #tpu.memory_space<semaphore_mem>>
      %dma_start3A = tpu.memref_slice %arg2[%mul3A_2] : memref<320000xi32, #tpu.memory_space<hbm>> -> memref<10000xi32, #tpu.memory_space<hbm>>
      %dma_start3A_148 = tpu.memref_slice %arg2[%mul3A_2] : memref<320000xi32, #tpu.memory_space<hbm>> -> memref<10000xi32, #tpu.memory_space<hbm>>
      tpu.enqueue_dma source(%dma_start3A_148 : memref<10000xi32, #tpu.memory_space<hbm>>) target(%arg8 : memref<10000xi32, #tpu.memory_space<vmem>>) target_semaphore(%run_scoped3A_147 : memref<!tpu.dma_semaphore, #tpu.memory_space<semaphore_mem>>)
      %dma_wait3A = tpu.memref_slice %arg2[%mul3A_2] : memref<320000xi32, #tpu.memory_space<hbm>> -> memref<10000xi32, #tpu.memory_space<hbm>>
      %dma_wait3A_149 = tpu.memref_slice %arg2[%mul3A_2] : memref<320000xi32, #tpu.memory_space<hbm>> -> memref<10000xi32, #tpu.memory_space<hbm>>
      tpu.wait_dma2 semaphore(%run_scoped3A_147 : memref<!tpu.dma_semaphore, #tpu.memory_space<semaphore_mem>>) src(%dma_wait3A_149 : memref<10000xi32, #tpu.memory_space<hbm>>) dst(%arg8 : memref<10000xi32, #tpu.memory_space<vmem>>)
      tpu.yield
    }) : () -> ()
    %mul3A_3 = arith.constant 10000 : i32
    %mul3A_4 = arith.muli %add3A, %mul3A_3 : i32
    "tpu.region"() ({
      %run_scoped3A_147 = tpu.sem_alloc : memref<!tpu.dma_semaphore, #tpu.memory_space<semaphore_mem>>
      %dma_start3A = tpu.memref_slice %arg3[%mul3A_4] : memref<320000xi32, #tpu.memory_space<hbm>> -> memref<10000xi32, #tpu.memory_space<hbm>>
      %dma_start3A_148 = tpu.memref_slice %arg3[%mul3A_4] : memref<320000xi32, #tpu.memory_space<hbm>> -> memref<10000xi32, #tpu.memory_space<hbm>>
      tpu.enqueue_dma source(%dma_start3A_148 : memref<10000xi32, #tpu.memory_space<hbm>>) target(%arg9 : memref<10000xi32, #tpu.memory_space<vmem>>) target_semaphore(%run_scoped3A_147 : memref<!tpu.dma_semaphore, #tpu.memory_space<semaphore_mem>>)
      %dma_wait3A = tpu.memref_slice %arg3[%mul3A_4] : memref<320000xi32, #tpu.memory_space<hbm>> -> memref<10000xi32, #tpu.memory_space<hbm>>
      %dma_wait3A_149 = tpu.memref_slice %arg3[%mul3A_4] : memref<320000xi32, #tpu.memory_space<hbm>> -> memref<10000xi32, #tpu.memory_space<hbm>>
      tpu.wait_dma2 semaphore(%run_scoped3A_147 : memref<!tpu.dma_semaphore, #tpu.memory_space<semaphore_mem>>) src(%dma_wait3A_149 : memref<10000xi32, #tpu.memory_space<hbm>>) dst(%arg9 : memref<10000xi32, #tpu.memory_space<vmem>>)
      tpu.yield
    }) : () -> ()
    %broadcast_in_dim3A = arith.constant 0.000000e+00 : f32
    %broadcast_in_dim3A_5 = vector.broadcast %broadcast_in_dim3A : f32 to vector<16xf32>
    %broadcast_in_dim3A_6 = arith.constant 1.000000e+00 : f32
    %broadcast_in_dim3A_7 = vector.broadcast %broadcast_in_dim3A_6 : f32 to vector<16xf32>
    %broadcast_in_dim3A_8 = arith.constant -1 : i32
    %broadcast_in_dim3A_9 = vector.broadcast %broadcast_in_dim3A_8 : i32 to vector<16xi32>
    %iota3A = tpu.iota {dimensions = array<i32: 0>} : vector<16xi32>
    %scan3A = arith.constant 0 : i32
    %scan3A_10 = arith.constant 0 : i32
    %scan3A_11 = arith.constant 640 : i32
    %scan3A_12 = arith.addi %scan3A_10, %scan3A_11 : i32
    %scan3A_13 = arith.constant 1 : i32
    scf.for %scan3A_147 = %scan3A_10 to %scan3A_12 step %scan3A_13  : i32 {
      %jit3A_148 = arith.constant 8 : i32
      %div3A_149 = arith.divsi %scan3A_147, %jit3A_148 : i32
      %sign3A_150 = arith.constant 0 : i32
      %sign3A_151 = arith.cmpi sgt, %scan3A_147, %sign3A_150 : i32
      %sign3A_152 = arith.extui %sign3A_151 : i1 to i32
      %sign3A_153 = arith.constant 0 : i32
      %sign3A_154 = arith.cmpi slt, %scan3A_147, %sign3A_153 : i32
      %sign3A_155 = arith.extui %sign3A_154 : i1 to i32
      %sign3A_156 = arith.subi %sign3A_152, %sign3A_155 : i32
      %sign3A_157 = arith.constant 0 : i32
      %sign3A_158 = arith.cmpi sgt, %jit3A_148, %sign3A_157 : i32
      %sign3A_159 = arith.extui %sign3A_158 : i1 to i32
      %sign3A_160 = arith.constant 0 : i32
      %sign3A_161 = arith.cmpi slt, %jit3A_148, %sign3A_160 : i32
      %sign3A_162 = arith.extui %sign3A_161 : i1 to i32
      %sign3A_163 = arith.subi %sign3A_159, %sign3A_162 : i32
      %ne3A_164 = arith.cmpi ne, %sign3A_156, %sign3A_163 : i32
      %rem3A_165 = arith.remsi %scan3A_147, %jit3A_148 : i32
      %ne3A_166 = arith.constant 0 : i32
      %ne3A_167 = arith.cmpi ne, %rem3A_165, %ne3A_166 : i32
      %and3A_168 = arith.andi %ne3A_164, %ne3A_167 : i1
      %sub3A_169 = arith.constant 1 : i32
      %sub3A_170 = arith.subi %div3A_149, %sub3A_169 : i32
      %select_n3A_171 = arith.select %and3A_168, %sub3A_170, %div3A_149 : i32
      %jit3A_172 = arith.constant 8 : i32
      %eq3A = arith.constant 0 : i32
      %eq3A_173 = arith.cmpi eq, %jit3A_172, %eq3A : i32
      %jit3A_174 = arith.constant 1 : i32
      %select_n3A_175 = arith.select %eq3A_173, %jit3A_174, %jit3A_172 : i32
      %rem3A_176 = arith.remsi %scan3A_147, %select_n3A_175 : i32
      %ne3A_177 = arith.constant 0 : i32
      %ne3A_178 = arith.cmpi ne, %rem3A_176, %ne3A_177 : i32
      %lt3A_179 = arith.constant 0 : i32
      %lt3A_180 = arith.cmpi slt, %rem3A_176, %lt3A_179 : i32
      %lt3A_181 = arith.constant 0 : i32
      %lt3A_182 = arith.cmpi slt, %select_n3A_175, %lt3A_181 : i32
      %ne3A_183 = arith.xori %lt3A_180, %lt3A_182 : i1
      %and3A_184 = arith.andi %ne3A_183, %ne3A_178 : i1
      %add3A_185 = arith.addi %rem3A_176, %select_n3A_175 : i32
      %select_n3A_186 = arith.select %and3A_184, %add3A_185, %rem3A_176 : i32
      %mul3A_187 = arith.constant 16 : i32
      %mul3A_188 = arith.muli %select_n3A_186, %mul3A_187 : i32
      %swap3A_189 = arith.index_cast %select_n3A_171 : i32 to index
      %swap3A_190 = arith.index_cast %mul3A_188 : i32 to index
      %swap3A_191 = tpu.vector_load %arg10[%swap3A_189, %swap3A_190] {strides = array<i32>} : memref<80x128xf32, #tpu.memory_space<vmem>>, vector<16xf32>,
      tpu.vector_store %arg10[%swap3A_189, %swap3A_190], %broadcast_in_dim3A_5 {strides = array<i32>} : memref<80x128xf32, #tpu.memory_space<vmem>>, vector<16xf32>,
      %lt3A_192 = arith.constant 64 : i32
      %lt3A_193 = arith.cmpi slt, %scan3A_147, %lt3A_192 : i32
      %convert_element_type3A_194 = arith.extui %lt3A_193 : i1 to i32
      %cond3A_195 = arith.constant 0 : i32
      %cond3A_196 = arith.cmpi ne, %convert_element_type3A_194, %cond3A_195 : i32
      scf.if %cond3A_196 {
        %jit3A_202 = arith.constant 8 : i32
        %div3A_203 = arith.divsi %scan3A_147, %jit3A_202 : i32
        %sign3A_204 = arith.constant 0 : i32
        %sign3A_205 = arith.cmpi sgt, %scan3A_147, %sign3A_204 : i32
        %sign3A_206 = arith.extui %sign3A_205 : i1 to i32
        %sign3A_207 = arith.constant 0 : i32
        %sign3A_208 = arith.cmpi slt, %scan3A_147, %sign3A_207 : i32
        %sign3A_209 = arith.extui %sign3A_208 : i1 to i32
        %sign3A_210 = arith.subi %sign3A_206, %sign3A_209 : i32
        %sign3A_211 = arith.constant 0 : i32
        %sign3A_212 = arith.cmpi sgt, %jit3A_202, %sign3A_211 : i32
        %sign3A_213 = arith.extui %sign3A_212 : i1 to i32
        %sign3A_214 = arith.constant 0 : i32
        %sign3A_215 = arith.cmpi slt, %jit3A_202, %sign3A_214 : i32
        %sign3A_216 = arith.extui %sign3A_215 : i1 to i32
        %sign3A_217 = arith.subi %sign3A_213, %sign3A_216 : i32
        %ne3A_218 = arith.cmpi ne, %sign3A_210, %sign3A_217 : i32
        %rem3A_219 = arith.remsi %scan3A_147, %jit3A_202 : i32
        %ne3A_220 = arith.constant 0 : i32
        %ne3A_221 = arith.cmpi ne, %rem3A_219, %ne3A_220 : i32
        %and3A_222 = arith.andi %ne3A_218, %ne3A_221 : i1
        %sub3A_223 = arith.constant 1 : i32
        %sub3A_224 = arith.subi %div3A_203, %sub3A_223 : i32
        %select_n3A_225 = arith.select %and3A_222, %sub3A_224, %div3A_203 : i32
        %jit3A_226 = arith.constant 8 : i32
        %eq3A_227 = arith.constant 0 : i32
        %eq3A_228 = arith.cmpi eq, %jit3A_226, %eq3A_227 : i32
        %jit3A_229 = arith.constant 1 : i32
        %select_n3A_230 = arith.select %eq3A_228, %jit3A_229, %jit3A_226 : i32
        %rem3A_231 = arith.remsi %scan3A_147, %select_n3A_230 : i32
        %ne3A_232 = arith.constant 0 : i32
        %ne3A_233 = arith.cmpi ne, %rem3A_231, %ne3A_232 : i32
        %lt3A_234 = arith.constant 0 : i32
        %lt3A_235 = arith.cmpi slt, %rem3A_231, %lt3A_234 : i32
        %lt3A_236 = arith.constant 0 : i32
        %lt3A_237 = arith.cmpi slt, %select_n3A_230, %lt3A_236 : i32
        %ne3A_238 = arith.xori %lt3A_235, %lt3A_237 : i1
        %and3A_239 = arith.andi %ne3A_238, %ne3A_233 : i1
        %add3A_240 = arith.addi %rem3A_231, %select_n3A_230 : i32
        %select_n3A_241 = arith.select %and3A_239, %add3A_240, %rem3A_231 : i32
        %mul3A_242 = arith.constant 16 : i32
        %mul3A_243 = arith.muli %select_n3A_241, %mul3A_242 : i32
        %swap3A_244 = arith.index_cast %select_n3A_225 : i32 to index
        %swap3A_245 = arith.index_cast %mul3A_243 : i32 to index
        %swap3A_246 = tpu.vector_load %arg11[%swap3A_244, %swap3A_245] {strides = array<i32>} : memref<8x128xf32, #tpu.memory_space<vmem>>, vector<16xf32>,
        tpu.vector_store %arg11[%swap3A_244, %swap3A_245], %broadcast_in_dim3A_5 {strides = array<i32>} : memref<8x128xf32, #tpu.memory_space<vmem>>, vector<16xf32>,
      } else {
      }
      %lt3A_197 = arith.constant 5 : i32
      %lt3A_198 = arith.cmpi slt, %scan3A_147, %lt3A_197 : i32
      %convert_element_type3A_199 = arith.extui %lt3A_198 : i1 to i32
      %cond3A_200 = arith.constant 0 : i32
      %cond3A_201 = arith.cmpi ne, %convert_element_type3A_199, %cond3A_200 : i32
      scf.if %cond3A_201 {
        %mul3A_202 = arith.constant 16 : i32
        %mul3A_203 = arith.muli %scan3A_147, %mul3A_202 : i32
        %add3A_204 = vector.broadcast %mul3A_203 : i32 to vector<16xi32>
        %add3A_205 = arith.addi %iota3A, %add3A_204 : vector<16xi32>
        %mul3A_206 = arith.constant 16 : i32
        %mul3A_207 = arith.muli %scan3A_147, %mul3A_206 : i32
        %swap3A_208 = arith.index_cast %mul3A_207 : i32 to index
        %swap3A_209 = tpu.vector_load %arg12[%swap3A_208] {strides = array<i32>} : memref<80xi32, #tpu.memory_space<vmem>>, vector<16xi32>,
        tpu.vector_store %arg12[%swap3A_208], %add3A_205 {strides = array<i32>} : memref<80xi32, #tpu.memory_space<vmem>>, vector<16xi32>,
      } else {
      }
    }
    %scan3A_14 = arith.constant 640 : i32
    %lt3A = arith.constant 10 : i32
    %lt3A_15 = arith.cmpi slt, %arg1, %lt3A : i32
    %convert_element_type3A = arith.extui %lt3A_15 : i1 to i32
    %cond3A = arith.constant 0 : i32
    %cond3A_16 = arith.cmpi ne, %convert_element_type3A, %cond3A : i32
    scf.if %cond3A_16 {
      %mul3A_147 = arith.constant 8 : i32
      %mul3A_148 = arith.muli %arg1, %mul3A_147 : i32
      "tpu.region"() ({
        %run_scoped3A_149 = tpu.sem_alloc : memref<!tpu.dma_semaphore, #tpu.memory_space<semaphore_mem>>
        %dma_start3A = arith.constant 0 : i32
        %dma_start3A_150 = tpu.memref_slice %arg19[%mul3A_148, %dma_start3A] : memref<80x128xf32, #tpu.memory_space<vmem_shared>> -> memref<8x128xf32, #tpu.memory_space<vmem_shared>>
        %dma_start3A_151 = arith.constant 0 : i32
        %dma_start3A_152 = tpu.memref_slice %arg19[%mul3A_148, %dma_start3A_151] : memref<80x128xf32, #tpu.memory_space<vmem_shared>> -> memref<8x128xf32, #tpu.memory_space<vmem_shared>>
        tpu.enqueue_dma source(%arg11 : memref<8x128xf32, #tpu.memory_space<vmem>>) target(%dma_start3A_152 : memref<8x128xf32, #tpu.memory_space<vmem_shared>>) target_semaphore(%run_scoped3A_149 : memref<!tpu.dma_semaphore, #tpu.memory_space<semaphore_mem>>)
        %dma_wait3A = arith.constant 0 : i32
        %dma_wait3A_153 = tpu.memref_slice %arg19[%mul3A_148, %dma_wait3A] : memref<80x128xf32, #tpu.memory_space<vmem_shared>> -> memref<8x128xf32, #tpu.memory_space<vmem_shared>>
        %dma_wait3A_154 = arith.constant 0 : i32
        %dma_wait3A_155 = tpu.memref_slice %arg19[%mul3A_148, %dma_wait3A_154] : memref<80x128xf32, #tpu.memory_space<vmem_shared>> -> memref<8x128xf32, #tpu.memory_space<vmem_shared>>
        tpu.wait_dma2 semaphore(%run_scoped3A_149 : memref<!tpu.dma_semaphore, #tpu.memory_space<semaphore_mem>>) src(%arg11 : memref<8x128xf32, #tpu.memory_space<vmem>>) dst(%dma_wait3A_155 : memref<8x128xf32, #tpu.memory_space<vmem_shared>>)
        tpu.yield
      }) : () -> ()
    } else {
    }
    %scan3A_17 = arith.constant 0 : i32
    %scan3A_18 = arith.constant 0 : i32
    %scan3A_19 = arith.constant 630 : i32
    %scan3A_20 = arith.addi %scan3A_18, %scan3A_19 : i32
    %scan3A_21 = arith.constant 1 : i32
    scf.for %scan3A_147 = %scan3A_18 to %scan3A_20 step %scan3A_21  : i32 {
      %mul3A_148 = arith.constant 16 : i32
      %mul3A_149 = arith.muli %scan3A_147, %mul3A_148 : i32
      %swap3A_150 = arith.index_cast %mul3A_149 : i32 to index
      %swap3A_151 = tpu.vector_load %arg13[%swap3A_150] {strides = array<i32>} : memref<10080xi32, #tpu.memory_space<vmem>>, vector<16xi32>,
      tpu.vector_store %arg13[%swap3A_150], %broadcast_in_dim3A_9 {strides = array<i32>} : memref<10080xi32, #tpu.memory_space<vmem>>, vector<16xi32>,
      %swap3A_152 = arith.index_cast %mul3A_149 : i32 to index
      %swap3A_153 = tpu.vector_load %arg14[%swap3A_152] {strides = array<i32>} : memref<10080xi32, #tpu.memory_space<vmem>>, vector<16xi32>,
      tpu.vector_store %arg14[%swap3A_152], %broadcast_in_dim3A_9 {strides = array<i32>} : memref<10080xi32, #tpu.memory_space<vmem>>, vector<16xi32>,
      %swap3A_154 = arith.index_cast %mul3A_149 : i32 to index
      %swap3A_155 = tpu.vector_load %arg15[%swap3A_154] {strides = array<i32>} : memref<10080xi32, #tpu.memory_space<vmem>>, vector<16xi32>,
      tpu.vector_store %arg15[%swap3A_154], %broadcast_in_dim3A_9 {strides = array<i32>} : memref<10080xi32, #tpu.memory_space<vmem>>, vector<16xi32>,
      %swap3A_156 = arith.index_cast %mul3A_149 : i32 to index
      %swap3A_157 = tpu.vector_load %arg16[%swap3A_156] {strides = array<i32>} : memref<10080xi32, #tpu.memory_space<vmem>>, vector<16xi32>,
      tpu.vector_store %arg16[%swap3A_156], %broadcast_in_dim3A_9 {strides = array<i32>} : memref<10080xi32, #tpu.memory_space<vmem>>, vector<16xi32>,
    }
    %scan3A_22 = arith.constant 630 : i32
    %scan3A_23 = arith.constant 0 : i32
    %scan3A_24 = arith.constant 0 : i32
    %scan3A_25 = arith.constant 0 : i32
    %scan3A_26 = arith.constant 625 : i32
    %scan3A_27 = arith.addi %scan3A_25, %scan3A_26 : i32
    %scan3A_28 = arith.constant 1 : i32
    %scan3A_29:2 = scf.for %scan3A_147 = %scan3A_25 to %scan3A_27 step %scan3A_28 iter_args(%scan3A_148 = %scan3A_23, %scan3A_149 = %scan3A_24) -> (i32, i32)  : i32 {
      %mul3A_150 = arith.constant 16 : i32
      %mul3A_151 = arith.muli %scan3A_147, %mul3A_150 : i32
      %get3A = arith.index_cast %mul3A_151 : i32 to index
      %get3A_152 = tpu.vector_load %arg9[%get3A] {strides = array<i32>} : memref<10000xi32, #tpu.memory_space<vmem>>, vector<16xi32>,
      %get3A_153 = arith.index_cast %mul3A_151 : i32 to index
      %get3A_154 = tpu.vector_load %arg8[%get3A_153] {strides = array<i32>} : memref<10000xi32, #tpu.memory_space<vmem>>, vector<16xi32>,
      %ge3A = arith.constant 0 : i32
      %ge3A_155 = vector.broadcast %ge3A : i32 to vector<16xi32>
      %ge3A_156 = arith.cmpi sge, %get3A_152, %ge3A_155 : vector<16xi32>
      %jit3A_157 = arith.constant 10239 : i32
      %broadcast_in_dim3A_158 = vector.broadcast %jit3A_157 : i32 to vector<16xi32>
      %select_n3A_159 = arith.select %ge3A_156, %get3A_152, %broadcast_in_dim3A_158 : vector<16xi1>, vector<16xi32>
      %shift_right_logical3A = arith.constant 7 : i32
      %shift_right_logical3A_160 = vector.broadcast %shift_right_logical3A : i32 to vector<16xi32>
      %shift_right_logical3A_161 = arith.shrui %select_n3A_159, %shift_right_logical3A_160 : vector<16xi32>
      %and3A_162 = arith.constant 127 : i32
      %and3A_163 = vector.broadcast %and3A_162 : i32 to vector<16xi32>
      %and3A_164 = arith.andi %select_n3A_159, %and3A_163 : vector<16xi32>
      tpu.vector_store_idx %arg10[%shift_right_logical3A_161, %and3A_164], %broadcast_in_dim3A_7 {add = true} : memref<80x128xf32, #tpu.memory_space<vmem>>[vector<16xi32>, vector<16xi32>], vector<16xf32>,
      %ge3A_165 = arith.constant 0 : i32
      %ge3A_166 = vector.broadcast %ge3A_165 : i32 to vector<16xi32>
      %ge3A_167 = arith.cmpi sge, %get3A_152, %ge3A_166 : vector<16xi32>
      %lt3A_168 = arith.constant 5000 : i32
      %lt3A_169 = vector.broadcast %lt3A_168 : i32 to vector<16xi32>
      %lt3A_170 = arith.cmpi slt, %get3A_152, %lt3A_169 : vector<16xi32>
      %and3A_171 = arith.andi %ge3A_167, %lt3A_170 : vector<16xi1>
      %ge3A_172 = arith.constant 5000 : i32
      %ge3A_173 = vector.broadcast %ge3A_172 : i32 to vector<16xi32>
      %ge3A_174 = arith.cmpi sge, %get3A_152, %ge3A_173 : vector<16xi32>
      %swap3A_175 = arith.index_cast %scan3A_148 : i32 to index
      %swap3A_176 = tpu.vector_load %arg13[%swap3A_175] masked %and3A_171 {strides = array<i32>} : memref<10080xi32, #tpu.memory_space<vmem>>, vector<16xi32>, vector<16xi1>
      tpu.vector_store %arg13[%swap3A_175], %get3A_154 masked %and3A_171 {strides = array<i32>} : memref<10080xi32, #tpu.memory_space<vmem>>, vector<16xi32>, vector<16xi1>
      %swap3A_177 = arith.index_cast %scan3A_148 : i32 to index
      %swap3A_178 = tpu.vector_load %arg14[%swap3A_177] masked %and3A_171 {strides = array<i32>} : memref<10080xi32, #tpu.memory_space<vmem>>, vector<16xi32>, vector<16xi1>
      tpu.vector_store %arg14[%swap3A_177], %get3A_152 masked %and3A_171 {strides = array<i32>} : memref<10080xi32, #tpu.memory_space<vmem>>, vector<16xi32>, vector<16xi1>
      %swap3A_179 = arith.index_cast %scan3A_149 : i32 to index
      %swap3A_180 = tpu.vector_load %arg15[%swap3A_179] masked %ge3A_174 {strides = array<i32>} : memref<10080xi32, #tpu.memory_space<vmem>>, vector<16xi32>, vector<16xi1>
      tpu.vector_store %arg15[%swap3A_179], %get3A_154 masked %ge3A_174 {strides = array<i32>} : memref<10080xi32, #tpu.memory_space<vmem>>, vector<16xi32>, vector<16xi1>
      %sub3A_181 = arith.constant 5000 : i32
      %sub3A_182 = vector.broadcast %sub3A_181 : i32 to vector<16xi32>
      %sub3A_183 = arith.subi %get3A_152, %sub3A_182 : vector<16xi32>
      %swap3A_184 = arith.index_cast %scan3A_149 : i32 to index
      %swap3A_185 = tpu.vector_load %arg16[%swap3A_184] masked %ge3A_174 {strides = array<i32>} : memref<10080xi32, #tpu.memory_space<vmem>>, vector<16xi32>, vector<16xi1>
      tpu.vector_store %arg16[%swap3A_184], %sub3A_183 masked %ge3A_174 {strides = array<i32>} : memref<10080xi32, #tpu.memory_space<vmem>>, vector<16xi32>, vector<16xi1>
      %all_reduce_population_count3A = tpu.all_reduce %and3A_171 {dim = 0 : i64, kind = #tpu.reduction_kind<sum>} : vector<16xi1> -> vector<16xi32>
      %reduce_max3A = arith.constant true
      %reduce_max3A_186 = vector.broadcast %reduce_max3A : i1 to vector<16xi1>
      %reduce_max3A_187 = arith.constant -2147483648 : i32
      %reduce_max3A_188 = vector.broadcast %reduce_max3A_187 : i32 to vector<16xi32>
      %reduce_max3A_189 = arith.xori %all_reduce_population_count3A, %reduce_max3A_188 : vector<16xi32>
      %reduce_max3A_190 = tpu.scan <max>, %reduce_max3A_189 masked %reduce_max3A_186 : vector<16xi32>, vector<16xi1> -> vector<16xi32>
      %reduce_max3A_191 = arith.xori %reduce_max3A_190, %reduce_max3A_188 : vector<16xi32>
      %reduce_max3A_192 = vector.extract %reduce_max3A_191[15] : i32 from vector<16xi32>
      %all_reduce_population_count3A_193 = tpu.all_reduce %ge3A_174 {dim = 0 : i64, kind = #tpu.reduction_kind<sum>} : vector<16xi1> -> vector<16xi32>
      %reduce_max3A_194 = arith.constant true
      %reduce_max3A_195 = vector.broadcast %reduce_max3A_194 : i1 to vector<16xi1>
      %reduce_max3A_196 = arith.constant -2147483648 : i32
      %reduce_max3A_197 = vector.broadcast %reduce_max3A_196 : i32 to vector<16xi32>
      %reduce_max3A_198 = arith.xori %all_reduce_population_count3A_193, %reduce_max3A_197 : vector<16xi32>
      %reduce_max3A_199 = tpu.scan <max>, %reduce_max3A_198 masked %reduce_max3A_195 : vector<16xi32>, vector<16xi1> -> vector<16xi32>
      %reduce_max3A_200 = arith.xori %reduce_max3A_199, %reduce_max3A_197 : vector<16xi32>
      %reduce_max3A_201 = vector.extract %reduce_max3A_200[15] : i32 from vector<16xi32>
      %add3A_202 = arith.addi %scan3A_148, %reduce_max3A_192 : i32
      %add3A_203 = arith.addi %scan3A_149, %reduce_max3A_201 : i32
      scf.yield %add3A_202, %add3A_203 : i32, i32
    }
    %scan3A_30 = arith.constant 625 : i32
    %add3A_31 = arith.constant 111 : i32
    %add3A_32 = arith.addi %scan3A_29#0, %add3A_31 : i32
    %jit3A = arith.constant 112 : i32
    %div3A = arith.divsi %add3A_32, %jit3A : i32
    %sign3A = arith.constant 0 : i32
    %sign3A_33 = arith.cmpi sgt, %add3A_32, %sign3A : i32
    %sign3A_34 = arith.extui %sign3A_33 : i1 to i32
    %sign3A_35 = arith.constant 0 : i32
    %sign3A_36 = arith.cmpi slt, %add3A_32, %sign3A_35 : i32
    %sign3A_37 = arith.extui %sign3A_36 : i1 to i32
    %sign3A_38 = arith.subi %sign3A_34, %sign3A_37 : i32
    %sign3A_39 = arith.constant 0 : i32
    %sign3A_40 = arith.cmpi sgt, %jit3A, %sign3A_39 : i32
    %sign3A_41 = arith.extui %sign3A_40 : i1 to i32
    %sign3A_42 = arith.constant 0 : i32
    %sign3A_43 = arith.cmpi slt, %jit3A, %sign3A_42 : i32
    %sign3A_44 = arith.extui %sign3A_43 : i1 to i32
    %sign3A_45 = arith.subi %sign3A_41, %sign3A_44 : i32
    %ne3A = arith.cmpi ne, %sign3A_38, %sign3A_45 : i32
    %rem3A = arith.remsi %add3A_32, %jit3A : i32
    %ne3A_46 = arith.constant 0 : i32
    %ne3A_47 = arith.cmpi ne, %rem3A, %ne3A_46 : i32
    %and3A = arith.andi %ne3A, %ne3A_47 : i1
    %sub3A = arith.constant 1 : i32
    %sub3A_48 = arith.subi %div3A, %sub3A : i32
    %select_n3A = arith.select %and3A, %sub3A_48, %div3A : i32
    %add3A_49 = arith.constant 2 : i32
    %add3A_50 = arith.addi %select_n3A, %add3A_49 : i32
    %jit3A_51 = arith.constant 3 : i32
    %div3A_52 = arith.divsi %add3A_50, %jit3A_51 : i32
    %sign3A_53 = arith.constant 0 : i32
    %sign3A_54 = arith.cmpi sgt, %add3A_50, %sign3A_53 : i32
    %sign3A_55 = arith.extui %sign3A_54 : i1 to i32
    %sign3A_56 = arith.constant 0 : i32
    %sign3A_57 = arith.cmpi slt, %add3A_50, %sign3A_56 : i32
    %sign3A_58 = arith.extui %sign3A_57 : i1 to i32
    %sign3A_59 = arith.subi %sign3A_55, %sign3A_58 : i32
    %sign3A_60 = arith.constant 0 : i32
    %sign3A_61 = arith.cmpi sgt, %jit3A_51, %sign3A_60 : i32
    %sign3A_62 = arith.extui %sign3A_61 : i1 to i32
    %sign3A_63 = arith.constant 0 : i32
    %sign3A_64 = arith.cmpi slt, %jit3A_51, %sign3A_63 : i32
    %sign3A_65 = arith.extui %sign3A_64 : i1 to i32
    %sign3A_66 = arith.subi %sign3A_62, %sign3A_65 : i32
    %ne3A_67 = arith.cmpi ne, %sign3A_59, %sign3A_66 : i32
    %rem3A_68 = arith.remsi %add3A_50, %jit3A_51 : i32
    %ne3A_69 = arith.constant 0 : i32
    %ne3A_70 = arith.cmpi ne, %rem3A_68, %ne3A_69 : i32
    %and3A_71 = arith.andi %ne3A_67, %ne3A_70 : i1
    %sub3A_72 = arith.constant 1 : i32
    %sub3A_73 = arith.subi %div3A_52, %sub3A_72 : i32
    %select_n3A_74 = arith.select %and3A_71, %sub3A_73, %div3A_52 : i32
    %mul3A_75 = arith.constant 3 : i32
    %mul3A_76 = arith.muli %select_n3A_74, %mul3A_75 : i32
    %broadcast_in_dim3A_77 = vector.broadcast %mul3A_76 : i32 to vector<16xi32>
    %swap3A = arith.constant 0 : index
    %swap3A_78 = tpu.vector_load %arg17[%swap3A] {strides = array<i32>} : memref<16xi32, #tpu.memory_space<vmem>>, vector<16xi32>,
    tpu.vector_store %arg17[%swap3A], %broadcast_in_dim3A_77 {strides = array<i32>} : memref<16xi32, #tpu.memory_space<vmem>>, vector<16xi32>,
    %add3A_79 = arith.constant 111 : i32
    %add3A_80 = arith.addi %scan3A_29#1, %add3A_79 : i32
    %jit3A_81 = arith.constant 112 : i32
    %div3A_82 = arith.divsi %add3A_80, %jit3A_81 : i32
    %sign3A_83 = arith.constant 0 : i32
    %sign3A_84 = arith.cmpi sgt, %add3A_80, %sign3A_83 : i32
    %sign3A_85 = arith.extui %sign3A_84 : i1 to i32
    %sign3A_86 = arith.constant 0 : i32
    %sign3A_87 = arith.cmpi slt, %add3A_80, %sign3A_86 : i32
    %sign3A_88 = arith.extui %sign3A_87 : i1 to i32
    %sign3A_89 = arith.subi %sign3A_85, %sign3A_88 : i32
    %sign3A_90 = arith.constant 0 : i32
    %sign3A_91 = arith.cmpi sgt, %jit3A_81, %sign3A_90 : i32
    %sign3A_92 = arith.extui %sign3A_91 : i1 to i32
    %sign3A_93 = arith.constant 0 : i32
    %sign3A_94 = arith.cmpi slt, %jit3A_81, %sign3A_93 : i32
    %sign3A_95 = arith.extui %sign3A_94 : i1 to i32
    %sign3A_96 = arith.subi %sign3A_92, %sign3A_95 : i32
    %ne3A_97 = arith.cmpi ne, %sign3A_89, %sign3A_96 : i32
    %rem3A_98 = arith.remsi %add3A_80, %jit3A_81 : i32
    %ne3A_99 = arith.constant 0 : i32
    %ne3A_100 = arith.cmpi ne, %rem3A_98, %ne3A_99 : i32
    %and3A_101 = arith.andi %ne3A_97, %ne3A_100 : i1
    %sub3A_102 = arith.constant 1 : i32
    %sub3A_103 = arith.subi %div3A_82, %sub3A_102 : i32
    %select_n3A_104 = arith.select %and3A_101, %sub3A_103, %div3A_82 : i32
    %add3A_105 = arith.constant 2 : i32
    %add3A_106 = arith.addi %select_n3A_104, %add3A_105 : i32
    %jit3A_107 = arith.constant 3 : i32
    %div3A_108 = arith.divsi %add3A_106, %jit3A_107 : i32
    %sign3A_109 = arith.constant 0 : i32
    %sign3A_110 = arith.cmpi sgt, %add3A_106, %sign3A_109 : i32
    %sign3A_111 = arith.extui %sign3A_110 : i1 to i32
    %sign3A_112 = arith.constant 0 : i32
    %sign3A_113 = arith.cmpi slt, %add3A_106, %sign3A_112 : i32
    %sign3A_114 = arith.extui %sign3A_113 : i1 to i32
    %sign3A_115 = arith.subi %sign3A_111, %sign3A_114 : i32
    %sign3A_116 = arith.constant 0 : i32
    %sign3A_117 = arith.cmpi sgt, %jit3A_107, %sign3A_116 : i32
    %sign3A_118 = arith.extui %sign3A_117 : i1 to i32
    %sign3A_119 = arith.constant 0 : i32
    %sign3A_120 = arith.cmpi slt, %jit3A_107, %sign3A_119 : i32
    %sign3A_121 = arith.extui %sign3A_120 : i1 to i32
    %sign3A_122 = arith.subi %sign3A_118, %sign3A_121 : i32
    %ne3A_123 = arith.cmpi ne, %sign3A_115, %sign3A_122 : i32
    %rem3A_124 = arith.remsi %add3A_106, %jit3A_107 : i32
    %ne3A_125 = arith.constant 0 : i32
    %ne3A_126 = arith.cmpi ne, %rem3A_124, %ne3A_125 : i32
    %and3A_127 = arith.andi %ne3A_123, %ne3A_126 : i1
    %sub3A_128 = arith.constant 1 : i32
    %sub3A_129 = arith.subi %div3A_108, %sub3A_128 : i32
    %select_n3A_130 = arith.select %and3A_127, %sub3A_129, %div3A_108 : i32
    %mul3A_131 = arith.constant 3 : i32
    %mul3A_132 = arith.muli %select_n3A_130, %mul3A_131 : i32
    %broadcast_in_dim3A_133 = vector.broadcast %mul3A_132 : i32 to vector<16xi32>
    %swap3A_134 = arith.constant 0 : index
    %swap3A_135 = tpu.vector_load %arg18[%swap3A_134] {strides = array<i32>} : memref<16xi32, #tpu.memory_space<vmem>>, vector<16xi32>,
    tpu.vector_store %arg18[%swap3A_134], %broadcast_in_dim3A_133 {strides = array<i32>} : memref<16xi32, #tpu.memory_space<vmem>>, vector<16xi32>,
    %run_scoped3A = arith.constant 0 : i32
    "tpu.region"() ({
      %run_scoped3A_147 = tpu.sem_alloc : memref<!tpu.dma_semaphore, #tpu.memory_space<semaphore_mem>>
      %dma_start3A = arith.constant 0 : i32
      %dma_start3A_148 = tpu.memref_slice %arg5[%run_scoped3A, %add3A, %dma_start3A] : memref<2x32x10080xi32, #tpu.memory_space<hbm>> -> memref<1x1x10080xi32, #tpu.memory_space<hbm>>
      %dma_start3A_149 = tpu.memref_squeeze %dma_start3A_148 : memref<1x1x10080xi32, #tpu.memory_space<hbm>> -> memref<10080xi32, #tpu.memory_space<hbm>>
      %dma_start3A_150 = arith.constant 0 : i32
      %dma_start3A_151 = tpu.memref_slice %arg5[%run_scoped3A, %add3A, %dma_start3A_150] : memref<2x32x10080xi32, #tpu.memory_space<hbm>> -> memref<1x1x10080xi32, #tpu.memory_space<hbm>>
      %dma_start3A_152 = tpu.memref_squeeze %dma_start3A_151 : memref<1x1x10080xi32, #tpu.memory_space<hbm>> -> memref<10080xi32, #tpu.memory_space<hbm>>
      tpu.enqueue_dma source(%arg13 : memref<10080xi32, #tpu.memory_space<vmem>>) target(%dma_start3A_152 : memref<10080xi32, #tpu.memory_space<hbm>>) target_semaphore(%run_scoped3A_147 : memref<!tpu.dma_semaphore, #tpu.memory_space<semaphore_mem>>)
      %dma_wait3A = arith.constant 0 : i32
      %dma_wait3A_153 = tpu.memref_slice %arg5[%run_scoped3A, %add3A, %dma_wait3A] : memref<2x32x10080xi32, #tpu.memory_space<hbm>> -> memref<1x1x10080xi32, #tpu.memory_space<hbm>>
      %dma_wait3A_154 = tpu.memref_squeeze %dma_wait3A_153 : memref<1x1x10080xi32, #tpu.memory_space<hbm>> -> memref<10080xi32, #tpu.memory_space<hbm>>
      %dma_wait3A_155 = arith.constant 0 : i32
      %dma_wait3A_156 = tpu.memref_slice %arg5[%run_scoped3A, %add3A, %dma_wait3A_155] : memref<2x32x10080xi32, #tpu.memory_space<hbm>> -> memref<1x1x10080xi32, #tpu.memory_space<hbm>>
      %dma_wait3A_157 = tpu.memref_squeeze %dma_wait3A_156 : memref<1x1x10080xi32, #tpu.memory_space<hbm>> -> memref<10080xi32, #tpu.memory_space<hbm>>
      tpu.wait_dma2 semaphore(%run_scoped3A_147 : memref<!tpu.dma_semaphore, #tpu.memory_space<semaphore_mem>>) src(%arg13 : memref<10080xi32, #tpu.memory_space<vmem>>) dst(%dma_wait3A_157 : memref<10080xi32, #tpu.memory_space<hbm>>)
      tpu.yield
    }) : () -> ()
    %run_scoped3A_136 = arith.constant 0 : i32
    "tpu.region"() ({
      %run_scoped3A_147 = tpu.sem_alloc : memref<!tpu.dma_semaphore, #tpu.memory_space<semaphore_mem>>
      %dma_start3A = arith.constant 0 : i32
      %dma_start3A_148 = tpu.memref_slice %arg6[%run_scoped3A_136, %add3A, %dma_start3A] : memref<2x32x10080xi32, #tpu.memory_space<hbm>> -> memref<1x1x10080xi32, #tpu.memory_space<hbm>>
      %dma_start3A_149 = tpu.memref_squeeze %dma_start3A_148 : memref<1x1x10080xi32, #tpu.memory_space<hbm>> -> memref<10080xi32, #tpu.memory_space<hbm>>
      %dma_start3A_150 = arith.constant 0 : i32
      %dma_start3A_151 = tpu.memref_slice %arg6[%run_scoped3A_136, %add3A, %dma_start3A_150] : memref<2x32x10080xi32, #tpu.memory_space<hbm>> -> memref<1x1x10080xi32, #tpu.memory_space<hbm>>
      %dma_start3A_152 = tpu.memref_squeeze %dma_start3A_151 : memref<1x1x10080xi32, #tpu.memory_space<hbm>> -> memref<10080xi32, #tpu.memory_space<hbm>>
      tpu.enqueue_dma source(%arg14 : memref<10080xi32, #tpu.memory_space<vmem>>) target(%dma_start3A_152 : memref<10080xi32, #tpu.memory_space<hbm>>) target_semaphore(%run_scoped3A_147 : memref<!tpu.dma_semaphore, #tpu.memory_space<semaphore_mem>>)
      %dma_wait3A = arith.constant 0 : i32
      %dma_wait3A_153 = tpu.memref_slice %arg6[%run_scoped3A_136, %add3A, %dma_wait3A] : memref<2x32x10080xi32, #tpu.memory_space<hbm>> -> memref<1x1x10080xi32, #tpu.memory_space<hbm>>
      %dma_wait3A_154 = tpu.memref_squeeze %dma_wait3A_153 : memref<1x1x10080xi32, #tpu.memory_space<hbm>> -> memref<10080xi32, #tpu.memory_space<hbm>>
      %dma_wait3A_155 = arith.constant 0 : i32
      %dma_wait3A_156 = tpu.memref_slice %arg6[%run_scoped3A_136, %add3A, %dma_wait3A_155] : memref<2x32x10080xi32, #tpu.memory_space<hbm>> -> memref<1x1x10080xi32, #tpu.memory_space<hbm>>
      %dma_wait3A_157 = tpu.memref_squeeze %dma_wait3A_156 : memref<1x1x10080xi32, #tpu.memory_space<hbm>> -> memref<10080xi32, #tpu.memory_space<hbm>>
      tpu.wait_dma2 semaphore(%run_scoped3A_147 : memref<!tpu.dma_semaphore, #tpu.memory_space<semaphore_mem>>) src(%arg14 : memref<10080xi32, #tpu.memory_space<vmem>>) dst(%dma_wait3A_157 : memref<10080xi32, #tpu.memory_space<hbm>>)
      tpu.yield
    }) : () -> ()
    %run_scoped3A_137 = arith.constant 1 : i32
    "tpu.region"() ({
      %run_scoped3A_147 = tpu.sem_alloc : memref<!tpu.dma_semaphore, #tpu.memory_space<semaphore_mem>>
      %dma_start3A = arith.constant 0 : i32
      %dma_start3A_148 = tpu.memref_slice %arg5[%run_scoped3A_137, %add3A, %dma_start3A] : memref<2x32x10080xi32, #tpu.memory_space<hbm>> -> memref<1x1x10080xi32, #tpu.memory_space<hbm>>
      %dma_start3A_149 = tpu.memref_squeeze %dma_start3A_148 : memref<1x1x10080xi32, #tpu.memory_space<hbm>> -> memref<10080xi32, #tpu.memory_space<hbm>>
      %dma_start3A_150 = arith.constant 0 : i32
      %dma_start3A_151 = tpu.memref_slice %arg5[%run_scoped3A_137, %add3A, %dma_start3A_150] : memref<2x32x10080xi32, #tpu.memory_space<hbm>> -> memref<1x1x10080xi32, #tpu.memory_space<hbm>>
      %dma_start3A_152 = tpu.memref_squeeze %dma_start3A_151 : memref<1x1x10080xi32, #tpu.memory_space<hbm>> -> memref<10080xi32, #tpu.memory_space<hbm>>
      tpu.enqueue_dma source(%arg15 : memref<10080xi32, #tpu.memory_space<vmem>>) target(%dma_start3A_152 : memref<10080xi32, #tpu.memory_space<hbm>>) target_semaphore(%run_scoped3A_147 : memref<!tpu.dma_semaphore, #tpu.memory_space<semaphore_mem>>)
      %dma_wait3A = arith.constant 0 : i32
      %dma_wait3A_153 = tpu.memref_slice %arg5[%run_scoped3A_137, %add3A, %dma_wait3A] : memref<2x32x10080xi32, #tpu.memory_space<hbm>> -> memref<1x1x10080xi32, #tpu.memory_space<hbm>>
      %dma_wait3A_154 = tpu.memref_squeeze %dma_wait3A_153 : memref<1x1x10080xi32, #tpu.memory_space<hbm>> -> memref<10080xi32, #tpu.memory_space<hbm>>
      %dma_wait3A_155 = arith.constant 0 : i32
      %dma_wait3A_156 = tpu.memref_slice %arg5[%run_scoped3A_137, %add3A, %dma_wait3A_155] : memref<2x32x10080xi32, #tpu.memory_space<hbm>> -> memref<1x1x10080xi32, #tpu.memory_space<hbm>>
      %dma_wait3A_157 = tpu.memref_squeeze %dma_wait3A_156 : memref<1x1x10080xi32, #tpu.memory_space<hbm>> -> memref<10080xi32, #tpu.memory_space<hbm>>
      tpu.wait_dma2 semaphore(%run_scoped3A_147 : memref<!tpu.dma_semaphore, #tpu.memory_space<semaphore_mem>>) src(%arg15 : memref<10080xi32, #tpu.memory_space<vmem>>) dst(%dma_wait3A_157 : memref<10080xi32, #tpu.memory_space<hbm>>)
      tpu.yield
    }) : () -> ()
    %run_scoped3A_138 = arith.constant 1 : i32
    "tpu.region"() ({
      %run_scoped3A_147 = tpu.sem_alloc : memref<!tpu.dma_semaphore, #tpu.memory_space<semaphore_mem>>
      %dma_start3A = arith.constant 0 : i32
      %dma_start3A_148 = tpu.memref_slice %arg6[%run_scoped3A_138, %add3A, %dma_start3A] : memref<2x32x10080xi32, #tpu.memory_space<hbm>> -> memref<1x1x10080xi32, #tpu.memory_space<hbm>>
      %dma_start3A_149 = tpu.memref_squeeze %dma_start3A_148 : memref<1x1x10080xi32, #tpu.memory_space<hbm>> -> memref<10080xi32, #tpu.memory_space<hbm>>
      %dma_start3A_150 = arith.constant 0 : i32
      %dma_start3A_151 = tpu.memref_slice %arg6[%run_scoped3A_138, %add3A, %dma_start3A_150] : memref<2x32x10080xi32, #tpu.memory_space<hbm>> -> memref<1x1x10080xi32, #tpu.memory_space<hbm>>
      %dma_start3A_152 = tpu.memref_squeeze %dma_start3A_151 : memref<1x1x10080xi32, #tpu.memory_space<hbm>> -> memref<10080xi32, #tpu.memory_space<hbm>>
      tpu.enqueue_dma source(%arg16 : memref<10080xi32, #tpu.memory_space<vmem>>) target(%dma_start3A_152 : memref<10080xi32, #tpu.memory_space<hbm>>) target_semaphore(%run_scoped3A_147 : memref<!tpu.dma_semaphore, #tpu.memory_space<semaphore_mem>>)
      %dma_wait3A = arith.constant 0 : i32
      %dma_wait3A_153 = tpu.memref_slice %arg6[%run_scoped3A_138, %add3A, %dma_wait3A] : memref<2x32x10080xi32, #tpu.memory_space<hbm>> -> memref<1x1x10080xi32, #tpu.memory_space<hbm>>
      %dma_wait3A_154 = tpu.memref_squeeze %dma_wait3A_153 : memref<1x1x10080xi32, #tpu.memory_space<hbm>> -> memref<10080xi32, #tpu.memory_space<hbm>>
      %dma_wait3A_155 = arith.constant 0 : i32
      %dma_wait3A_156 = tpu.memref_slice %arg6[%run_scoped3A_138, %add3A, %dma_wait3A_155] : memref<2x32x10080xi32, #tpu.memory_space<hbm>> -> memref<1x1x10080xi32, #tpu.memory_space<hbm>>
      %dma_wait3A_157 = tpu.memref_squeeze %dma_wait3A_156 : memref<1x1x10080xi32, #tpu.memory_space<hbm>> -> memref<10080xi32, #tpu.memory_space<hbm>>
      tpu.wait_dma2 semaphore(%run_scoped3A_147 : memref<!tpu.dma_semaphore, #tpu.memory_space<semaphore_mem>>) src(%arg16 : memref<10080xi32, #tpu.memory_space<vmem>>) dst(%dma_wait3A_157 : memref<10080xi32, #tpu.memory_space<hbm>>)
      tpu.yield
    }) : () -> ()
    %run_scoped3A_139 = arith.constant 0 : i32
    "tpu.region"() ({
      %run_scoped3A_147 = tpu.sem_alloc : memref<!tpu.dma_semaphore, #tpu.memory_space<semaphore_mem>>
      %dma_start3A = arith.constant 0 : i32
      %dma_start3A_148 = tpu.memref_slice %arg7[%run_scoped3A_139, %add3A, %dma_start3A] : memref<2x32x16xi32, #tpu.memory_space<hbm>> -> memref<1x1x16xi32, #tpu.memory_space<hbm>>
      %dma_start3A_149 = tpu.memref_squeeze %dma_start3A_148 : memref<1x1x16xi32, #tpu.memory_space<hbm>> -> memref<16xi32, #tpu.memory_space<hbm>>
      %dma_start3A_150 = arith.constant 0 : i32
      %dma_start3A_151 = tpu.memref_slice %arg7[%run_scoped3A_139, %add3A, %dma_start3A_150] : memref<2x32x16xi32, #tpu.memory_space<hbm>> -> memref<1x1x16xi32, #tpu.memory_space<hbm>>
      %dma_start3A_152 = tpu.memref_squeeze %dma_start3A_151 : memref<1x1x16xi32, #tpu.memory_space<hbm>> -> memref<16xi32, #tpu.memory_space<hbm>>
      tpu.enqueue_dma source(%arg17 : memref<16xi32, #tpu.memory_space<vmem>>) target(%dma_start3A_152 : memref<16xi32, #tpu.memory_space<hbm>>) target_semaphore(%run_scoped3A_147 : memref<!tpu.dma_semaphore, #tpu.memory_space<semaphore_mem>>)
      %dma_wait3A = arith.constant 0 : i32
      %dma_wait3A_153 = tpu.memref_slice %arg7[%run_scoped3A_139, %add3A, %dma_wait3A] : memref<2x32x16xi32, #tpu.memory_space<hbm>> -> memref<1x1x16xi32, #tpu.memory_space<hbm>>
      %dma_wait3A_154 = tpu.memref_squeeze %dma_wait3A_153 : memref<1x1x16xi32, #tpu.memory_space<hbm>> -> memref<16xi32, #tpu.memory_space<hbm>>
      %dma_wait3A_155 = arith.constant 0 : i32
      %dma_wait3A_156 = tpu.memref_slice %arg7[%run_scoped3A_139, %add3A, %dma_wait3A_155] : memref<2x32x16xi32, #tpu.memory_space<hbm>> -> memref<1x1x16xi32, #tpu.memory_space<hbm>>
      %dma_wait3A_157 = tpu.memref_squeeze %dma_wait3A_156 : memref<1x1x16xi32, #tpu.memory_space<hbm>> -> memref<16xi32, #tpu.memory_space<hbm>>
      tpu.wait_dma2 semaphore(%run_scoped3A_147 : memref<!tpu.dma_semaphore, #tpu.memory_space<semaphore_mem>>) src(%arg17 : memref<16xi32, #tpu.memory_space<vmem>>) dst(%dma_wait3A_157 : memref<16xi32, #tpu.memory_space<hbm>>)
      tpu.yield
    }) : () -> ()
    %run_scoped3A_140 = arith.constant 1 : i32
    "tpu.region"() ({
      %run_scoped3A_147 = tpu.sem_alloc : memref<!tpu.dma_semaphore, #tpu.memory_space<semaphore_mem>>
      %dma_start3A = arith.constant 0 : i32
      %dma_start3A_148 = tpu.memref_slice %arg7[%run_scoped3A_140, %add3A, %dma_start3A] : memref<2x32x16xi32, #tpu.memory_space<hbm>> -> memref<1x1x16xi32, #tpu.memory_space<hbm>>
      %dma_start3A_149 = tpu.memref_squeeze %dma_start3A_148 : memref<1x1x16xi32, #tpu.memory_space<hbm>> -> memref<16xi32, #tpu.memory_space<hbm>>
      %dma_start3A_150 = arith.constant 0 : i32
      %dma_start3A_151 = tpu.memref_slice %arg7[%run_scoped3A_140, %add3A, %dma_start3A_150] : memref<2x32x16xi32, #tpu.memory_space<hbm>> -> memref<1x1x16xi32, #tpu.memory_space<hbm>>
      %dma_start3A_152 = tpu.memref_squeeze %dma_start3A_151 : memref<1x1x16xi32, #tpu.memory_space<hbm>> -> memref<16xi32, #tpu.memory_space<hbm>>
      tpu.enqueue_dma source(%arg18 : memref<16xi32, #tpu.memory_space<vmem>>) target(%dma_start3A_152 : memref<16xi32, #tpu.memory_space<hbm>>) target_semaphore(%run_scoped3A_147 : memref<!tpu.dma_semaphore, #tpu.memory_space<semaphore_mem>>)
      %dma_wait3A = arith.constant 0 : i32
      %dma_wait3A_153 = tpu.memref_slice %arg7[%run_scoped3A_140, %add3A, %dma_wait3A] : memref<2x32x16xi32, #tpu.memory_space<hbm>> -> memref<1x1x16xi32, #tpu.memory_space<hbm>>
      %dma_wait3A_154 = tpu.memref_squeeze %dma_wait3A_153 : memref<1x1x16xi32, #tpu.memory_space<hbm>> -> memref<16xi32, #tpu.memory_space<hbm>>
      %dma_wait3A_155 = arith.constant 0 : i32
      %dma_wait3A_156 = tpu.memref_slice %arg7[%run_scoped3A_140, %add3A, %dma_wait3A_155] : memref<2x32x16xi32, #tpu.memory_space<hbm>> -> memref<1x1x16xi32, #tpu.memory_space<hbm>>
      %dma_wait3A_157 = tpu.memref_squeeze %dma_wait3A_156 : memref<1x1x16xi32, #tpu.memory_space<hbm>> -> memref<16xi32, #tpu.memory_space<hbm>>
      tpu.wait_dma2 semaphore(%run_scoped3A_147 : memref<!tpu.dma_semaphore, #tpu.memory_space<semaphore_mem>>) src(%arg18 : memref<16xi32, #tpu.memory_space<vmem>>) dst(%dma_wait3A_157 : memref<16xi32, #tpu.memory_space<hbm>>)
      tpu.yield
    }) : () -> ()
    %barrier3A = arith.constant 0 : index
    tpu.barrier barrier_id(%barrier3A)
    "tpu.region"() ({
      %run_scoped3A_147 = tpu.sem_alloc : memref<!tpu.dma_semaphore, #tpu.memory_space<semaphore_mem>>
      %dma_start3A = arith.constant 0 : i32
      %dma_start3A_148 = arith.constant 0 : i32
      %dma_start3A_149 = tpu.memref_slice %arg19[%dma_start3A, %dma_start3A_148] : memref<80x128xf32, #tpu.memory_space<vmem_shared>> -> memref<80x128xf32, #tpu.memory_space<vmem_shared>>
      tpu.enqueue_indirect_dma source(%arg10 : memref<80x128xf32, #tpu.memory_space<vmem>>) target(%dma_start3A_149 : memref<80x128xf32, #tpu.memory_space<vmem_shared>>) offsets(%arg12 : memref<80xi32, #tpu.memory_space<vmem>>) semaphore(%run_scoped3A_147 : memref<!tpu.dma_semaphore, #tpu.memory_space<semaphore_mem>>) {add = true}
      %dma_wait3A = arith.constant 0 : i32
      %dma_wait3A_150 = arith.constant 0 : i32
      %dma_wait3A_151 = tpu.memref_slice %arg19[%dma_wait3A, %dma_wait3A_150] : memref<80x128xf32, #tpu.memory_space<vmem_shared>> -> memref<80x128xf32, #tpu.memory_space<vmem_shared>>
      tpu.wait_indirect_dma semaphore(%run_scoped3A_147 : memref<!tpu.dma_semaphore, #tpu.memory_space<semaphore_mem>>) src(%arg10 : memref<80x128xf32, #tpu.memory_space<vmem>>) dst(%dma_wait3A_151 : memref<80x128xf32, #tpu.memory_space<vmem_shared>>)
      tpu.yield
    }) : () -> ()
    %barrier3A_141 = arith.constant 0 : index
    tpu.barrier barrier_id(%barrier3A_141)
    %lt3A_142 = arith.constant 10 : i32
    %lt3A_143 = arith.cmpi slt, %arg1, %lt3A_142 : i32
    %convert_element_type3A_144 = arith.extui %lt3A_143 : i1 to i32
    %cond3A_145 = arith.constant 0 : i32
    %cond3A_146 = arith.cmpi ne, %convert_element_type3A_144, %cond3A_145 : i32
    scf.if %cond3A_146 {
      %mul3A_147 = arith.constant 8 : i32
      %mul3A_148 = arith.muli %arg1, %mul3A_147 : i32
      "tpu.region"() ({
        %run_scoped3A_149 = tpu.sem_alloc : memref<!tpu.dma_semaphore, #tpu.memory_space<semaphore_mem>>
        %dma_start3A = arith.constant 0 : i32
        %dma_start3A_150 = tpu.memref_slice %arg4[%arg0, %mul3A_148, %dma_start3A] : memref<2x80x128xf32, #tpu.memory_space<hbm>> -> memref<1x8x128xf32, #tpu.memory_space<hbm>>
        %dma_start3A_151 = tpu.memref_squeeze %dma_start3A_150 : memref<1x8x128xf32, #tpu.memory_space<hbm>> -> memref<8x128xf32, #tpu.memory_space<hbm>>
        %dma_start3A_152 = arith.constant 0 : i32
        %dma_start3A_153 = tpu.memref_slice %arg19[%mul3A_148, %dma_start3A_152] : memref<80x128xf32, #tpu.memory_space<vmem_shared>> -> memref<8x128xf32, #tpu.memory_space<vmem_shared>>
        tpu.enqueue_dma source(%dma_start3A_153 : memref<8x128xf32, #tpu.memory_space<vmem_shared>>) target(%dma_start3A_151 : memref<8x128xf32, #tpu.memory_space<hbm>>) target_semaphore(%run_scoped3A_149 : memref<!tpu.dma_semaphore, #tpu.memory_space<semaphore_mem>>)
        %dma_wait3A = arith.constant 0 : i32
        %dma_wait3A_154 = tpu.memref_slice %arg4[%arg0, %mul3A_148, %dma_wait3A] : memref<2x80x128xf32, #tpu.memory_space<hbm>> -> memref<1x8x128xf32, #tpu.memory_space<hbm>>
        %dma_wait3A_155 = tpu.memref_squeeze %dma_wait3A_154 : memref<1x8x128xf32, #tpu.memory_space<hbm>> -> memref<8x128xf32, #tpu.memory_space<hbm>>
        %dma_wait3A_156 = arith.constant 0 : i32
        %dma_wait3A_157 = tpu.memref_slice %arg19[%mul3A_148, %dma_wait3A_156] : memref<80x128xf32, #tpu.memory_space<vmem_shared>> -> memref<8x128xf32, #tpu.memory_space<vmem_shared>>
        tpu.wait_dma2 semaphore(%run_scoped3A_149 : memref<!tpu.dma_semaphore, #tpu.memory_space<semaphore_mem>>) src(%dma_wait3A_157 : memref<8x128xf32, #tpu.memory_space<vmem_shared>>) dst(%dma_wait3A_155 : memref<8x128xf32, #tpu.memory_space<hbm>>)
        tpu.yield
      }) : () -> ()
    } else {
    }
    return
  }
}

module attributes {stable_mosaic.version = 14 : i64} {
  func.func @_matmul_body(%arg0: i32, %arg1: memref<2048x128xf32, #tpu.memory_space<vmem>>, %arg2: memref<128x128xf32, #tpu.memory_space<vmem>>, %arg3: memref<1x2x2048xf32, #tpu.memory_space<vmem>>, %arg4: memref<2048x128xf32, #tpu.memory_space<vmem>>) attributes {dimension_semantics = [#tpu.dimension_semantics<arbitrary>], iteration_bounds = array<i64: 5>, scalar_prefetch = 0 : i64, scratch_operands = 0 : i64, tpu.core_type = #tpu.core_type<tc>, window_params = [{transform_indices = @transform_0, window_bounds = array<i64: 2048, 128>}, {pipeline_mode = #tpu.pipeline_mode<synchronous>, transform_indices = @transform_1, window_bounds = array<i64: 128, 128>}, {transform_indices = @transform_2, window_bounds = array<i64: 1, 2, 2048>}, {transform_indices = @transform_3, window_bounds = array<i64: 2048, 128>}]} {
    %get3A = arith.constant 0 : index
    %get3A_0 = arith.constant 0 : index
    %get3A_1 = arith.constant 0 : index
    %get3A_2 = vector.load %arg3[%get3A, %get3A_0, %get3A_1] : memref<1x2x2048xf32, #tpu.memory_space<vmem>>, vector<1x1x2048xf32>
    %get3A_3 = vector.shape_cast %get3A_2 : vector<1x1x2048xf32> to vector<2048xf32>
    %get3A_4 = arith.constant 0 : index
    %get3A_5 = arith.constant 1 : index
    %get3A_6 = arith.constant 0 : index
    %get3A_7 = vector.load %arg3[%get3A_4, %get3A_5, %get3A_6] : memref<1x2x2048xf32, #tpu.memory_space<vmem>>, vector<1x1x2048xf32>
    %get3A_8 = vector.shape_cast %get3A_7 : vector<1x1x2048xf32> to vector<2048xf32>
    %add3A = arith.addf %get3A_3, %get3A_8 : vector<2048xf32>
    %add3A_9 = arith.constant 1.000000e+00 : f32
    %add3A_10 = vector.broadcast %add3A_9 : f32 to vector<2048xf32>
    %add3A_11 = arith.addf %add3A, %add3A_10 : vector<2048xf32>
    %rsqrt3A = math.rsqrt %add3A_11 : vector<2048xf32>
    %get3A_12 = arith.constant 0 : index
    %get3A_13 = arith.constant 0 : index
    %get3A_14 = vector.load %arg1[%get3A_12, %get3A_13] : memref<2048x128xf32, #tpu.memory_space<vmem>>, vector<2048x128xf32>
    %get3A_15 = arith.constant 0 : index
    %get3A_16 = arith.constant 0 : index
    %get3A_17 = vector.load %arg2[%get3A_15, %get3A_16] : memref<128x128xf32, #tpu.memory_space<vmem>>, vector<128x128xf32>
    %dot_general3A = arith.constant dense<0.000000e+00> : vector<2048x128xf32>
    %dot_general3A_18 = tpu.matmul %get3A_14, %get3A_17, %dot_general3A {dimension_numbers = #tpu.dot_dimension_numbers<[1], [0], [0], [1], [0, 0, 1, 1], [], []>, transpose_lhs_hint = false} : vector<2048x128xf32>, vector<128x128xf32>, vector<2048x128xf32> -> vector<2048x128xf32>
    %broadcast_in_dim3A = vector.shape_cast %rsqrt3A : vector<2048xf32> to vector<2048x1xf32>
    %mul3A = vector.broadcast %broadcast_in_dim3A : vector<2048x1xf32> to vector<2048x128xf32>
    %mul3A_19 = arith.mulf %dot_general3A_18, %mul3A : vector<2048x128xf32>
    %swap3A = arith.constant 0 : index
    %swap3A_20 = arith.constant 0 : index
    %swap3A_21 = vector.load %arg4[%swap3A, %swap3A_20] : memref<2048x128xf32, #tpu.memory_space<vmem>>, vector<2048x128xf32>
    tpu.vector_store %arg4[%swap3A, %swap3A_20], %mul3A_19 {strides = array<i32>} : memref<2048x128xf32, #tpu.memory_space<vmem>>, vector<2048x128xf32>,
    return
  }
  func.func @transform_0(%arg0: i32) -> (i32, i32) {
    %c0_i32 = arith.constant 0 : i32
    %c0_i32_0 = arith.constant 0 : i32
    return %arg0, %c0_i32 : i32, i32
  }
  func.func @transform_1(%arg0: i32) -> (i32, i32) {
    %c0_i32 = arith.constant 0 : i32
    %c0_i32_0 = arith.constant 0 : i32
    %c0_i32_1 = arith.constant 0 : i32
    return %c0_i32, %c0_i32_0 : i32, i32
  }
  func.func @transform_2(%arg0: i32) -> (i32, i32, i32) {
    %c0_i32 = arith.constant 0 : i32
    %c0_i32_0 = arith.constant 0 : i32
    %c0_i32_1 = arith.constant 0 : i32
    return %arg0, %c0_i32, %c0_i32_0 : i32, i32, i32
  }
  func.func @transform_3(%arg0: i32) -> (i32, i32) {
    %c0_i32 = arith.constant 0 : i32
    %c0_i32_0 = arith.constant 0 : i32
    return %arg0, %c0_i32 : i32, i32
  }
}

module attributes {stable_mosaic.version = 14 : i64} {
  func.func @_final_body(%arg0: i32, %arg1: memref<2048x128xf32, #tpu.memory_space<vmem>>, %arg2: memref<2048x128xf32, #tpu.memory_space<vmem>>, %arg3: memref<1x2x2048xf32, #tpu.memory_space<vmem>>, %arg4: memref<128xf32, #tpu.memory_space<vmem>>, %arg5: memref<2048x128xf32, #tpu.memory_space<vmem>>) attributes {dimension_semantics = [#tpu.dimension_semantics<arbitrary>], iteration_bounds = array<i64: 5>, scalar_prefetch = 0 : i64, scratch_operands = 0 : i64, tpu.core_type = #tpu.core_type<tc>, window_params = [{transform_indices = @transform_0, window_bounds = array<i64: 2048, 128>}, {transform_indices = @transform_1, window_bounds = array<i64: 2048, 128>}, {transform_indices = @transform_2, window_bounds = array<i64: 1, 2, 2048>}, {pipeline_mode = #tpu.pipeline_mode<synchronous>, transform_indices = @transform_3, window_bounds = array<i64: 128>}, {transform_indices = @transform_4, window_bounds = array<i64: 2048, 128>}]} {
    %get3A = arith.constant 0 : index
    %get3A_0 = arith.constant 0 : index
    %get3A_1 = arith.constant 0 : index
    %get3A_2 = vector.load %arg3[%get3A, %get3A_0, %get3A_1] : memref<1x2x2048xf32, #tpu.memory_space<vmem>>, vector<1x1x2048xf32>
    %get3A_3 = vector.shape_cast %get3A_2 : vector<1x1x2048xf32> to vector<2048xf32>
    %get3A_4 = arith.constant 0 : index
    %get3A_5 = arith.constant 1 : index
    %get3A_6 = arith.constant 0 : index
    %get3A_7 = vector.load %arg3[%get3A_4, %get3A_5, %get3A_6] : memref<1x2x2048xf32, #tpu.memory_space<vmem>>, vector<1x1x2048xf32>
    %get3A_8 = vector.shape_cast %get3A_7 : vector<1x1x2048xf32> to vector<2048xf32>
    %add3A = arith.addf %get3A_3, %get3A_8 : vector<2048xf32>
    %add3A_9 = arith.constant 1.000000e+00 : f32
    %add3A_10 = vector.broadcast %add3A_9 : f32 to vector<2048xf32>
    %add3A_11 = arith.addf %add3A, %add3A_10 : vector<2048xf32>
    %rsqrt3A = math.rsqrt %add3A_11 : vector<2048xf32>
    %get3A_12 = arith.constant 0 : index
    %get3A_13 = arith.constant 0 : index
    %get3A_14 = vector.load %arg1[%get3A_12, %get3A_13] : memref<2048x128xf32, #tpu.memory_space<vmem>>, vector<2048x128xf32>
    %get3A_15 = arith.constant 0 : index
    %get3A_16 = arith.constant 0 : index
    %get3A_17 = vector.load %arg2[%get3A_15, %get3A_16] : memref<2048x128xf32, #tpu.memory_space<vmem>>, vector<2048x128xf32>
    %add3A_18 = arith.addf %get3A_14, %get3A_17 : vector<2048x128xf32>
    %broadcast_in_dim3A = vector.shape_cast %rsqrt3A : vector<2048xf32> to vector<2048x1xf32>
    %mul3A = vector.broadcast %broadcast_in_dim3A : vector<2048x1xf32> to vector<2048x128xf32>
    %mul3A_19 = arith.mulf %add3A_18, %mul3A : vector<2048x128xf32>
    %get3A_20 = arith.constant 0 : index
    %get3A_21 = vector.load %arg4[%get3A_20] : memref<128xf32, #tpu.memory_space<vmem>>, vector<128xf32>
    %broadcast_in_dim3A_22 = vector.shape_cast %get3A_21 : vector<128xf32> to vector<1x128xf32>
    %add3A_23 = vector.broadcast %broadcast_in_dim3A_22 : vector<1x128xf32> to vector<2048x128xf32>
    %add3A_24 = arith.addf %mul3A_19, %add3A_23 : vector<2048x128xf32>
    %max3A = arith.constant 0.000000e+00 : f32
    %max3A_25 = vector.broadcast %max3A : f32 to vector<2048x128xf32>
    %max3A_26 = arith.maximumf %add3A_24, %max3A_25 : vector<2048x128xf32>
    %swap3A = arith.constant 0 : index
    %swap3A_27 = arith.constant 0 : index
    %swap3A_28 = vector.load %arg5[%swap3A, %swap3A_27] : memref<2048x128xf32, #tpu.memory_space<vmem>>, vector<2048x128xf32>
    tpu.vector_store %arg5[%swap3A, %swap3A_27], %max3A_26 {strides = array<i32>} : memref<2048x128xf32, #tpu.memory_space<vmem>>, vector<2048x128xf32>,
    return
  }
  func.func @transform_0(%arg0: i32) -> (i32, i32) {
    %c0_i32 = arith.constant 0 : i32
    %c0_i32_0 = arith.constant 0 : i32
    return %arg0, %c0_i32 : i32, i32
  }
  func.func @transform_1(%arg0: i32) -> (i32, i32) {
    %c0_i32 = arith.constant 0 : i32
    %c0_i32_0 = arith.constant 0 : i32
    return %arg0, %c0_i32 : i32, i32
  }
  func.func @transform_2(%arg0: i32) -> (i32, i32, i32) {
    %c0_i32 = arith.constant 0 : i32
    %c0_i32_0 = arith.constant 0 : i32
    %c0_i32_1 = arith.constant 0 : i32
    return %arg0, %c0_i32, %c0_i32_0 : i32, i32, i32
  }
  func.func @transform_3(%arg0: i32) -> i32 {
    %c0_i32 = arith.constant 0 : i32
    %c0_i32_0 = arith.constant 0 : i32
    return %c0_i32 : i32
  }
  func.func @transform_4(%arg0: i32) -> (i32, i32) {
    %c0_i32 = arith.constant 0 : i32
    %c0_i32_0 = arith.constant 0 : i32
    return %arg0, %c0_i32 : i32, i32
  }
}

</mosaic_0001>

<sc_bundles>
// kernel: kernel.6.cloned.1.call-start
scs
__scs_entry_jumppad:
0x0: {  	(pc) =	sbr.rel $0x88, $3  }
0x1: {  	(tag) =	ssettag $0x0;
	lr =	simm.s32 $0x1  }
0x2: {  	[smem:$0x3F9D] =	sst lr;
	_ =	strace $0xD0000000  }
0x3: {  	_ = 	snop  }
0x4: {  	_ = 	snop  }
0x5: {  	_ = 	snop  }
0x6: {  	_ = 	snop  }
0x7: {  	_ = 	snop  }
__scs_overlays_trampoline_lowered:
0x8: {  	[smem:$0x3FAC] =	sst s0  }
0x9: {  	[smem:$0x3FAD] =	sst s1  }
0xa: {  	[smem:$0x3FAE] =	sst s2  }
0xb: {  	[smem:$0x3FAF] =	sst s3  }
0xc: {  	[smem:$0x3FB0] =	sst s4  }
0xd: {  	[smem:$0x3FB1] =	sst s5  }
0xe: {  	[smem:$0x3FB2] =	sst s6  }
0xf: {  	[smem:$0x3FB3] =	sst s7  }
0x10: {  	[smem:$0x3FB4] =	sst s8  }
0x11: {  	[smem:$0x3FB5] =	sst s9;
	s0 =	simm.s32 @!p0 $0x0  }
0x12: {  	s1 =	sld [smem:$0x3F9B];
	s0 =	simm.s32 @p0 $0x1  }
0x13: {  	[smem:$0x3FB6] =	sst s0;
	s0 =	simm.s32 @!p1 $0x0  }
0x14: {  	s2 =	sld [smem:$0x3F9A];
	s0 =	simm.s32 @p1 $0x1  }
0x15: {  	[smem:$0x3FB7] =	sst s0;
	s0 =	simm.s32 @!p2 $0x0  }
0x16: {  	s3 =	sld [smem:$0x3FDB];
	s0 =	simm.s32 @p2 $0x1  }
0x17: {  	s4 =	simm.s32 $0x1BF5;
	[smem:$0x3FB9] =	sst s0  }
0x18: {  	s0 =	sld [smem:$0x3F9C];
	_ =	swait.ge [sflag:s4], $0x0  }
0x19: {  	s7 =	sld [smem:$0x3F9D]  }
0x1a: {  	s8 =	sadd.s32 $0xFFFFE003, lr  }
0x1b: {  	s9 =	sadd.s32 $0xFFFFFEF7, lr;
	s5 =	simm.s32 $0xFFFFFFFF;
	p2 =	slt.u32 s8, $0xFFFFF086  }
0x1c: {  	p1 =	slt.u32 s9, $0xF7A;
	s5 =	simm.s32 @!p2 $0x0  }
0x1d: {  	s5 =	simm.s32 @p1 $0x1;
	p0 =	seq.s32 s7, s2  }
0x1e: {  	s7 =	smul.u32 @!p0 $0xF7A, s2;
	p2 =	seq.s32 @!p0 s5, $0x0  }
0x1f: {  	s9 =	smul.u32 $0xF7A, s1;
	s8 =	simm.s32 @!p0 $0x1BF5;
	p2 =	por !p2, p0  }
0x20: {  	[sflag:s8] =	ssyncset.s32 @!p0 $0xFFFFF086;
	s6 =	sadd.s32 @!p0 s3, s7;
	s7 =	simm.s32 @!p0 $0x108  }
0x21: {  	s3 =	sadd.s32 s3, s9;
	s6 =	sadd.s32 @!p0 $0x88, s6;
	s7 =	simm.s32 @p2 $0x1082  }
0x22: {  	[simem:s7], [sflag:s8] =	dma.local @!p0 [hbm:s6], $0xF7A  }
0x23: {  	s9 =	sor.u32 $0xD0000000, s2;
	s6 =	simm.s32 $0x108;
	_ =	swait.ge @!p0 [sflag:s8], $0x0  }
0x24: {  	s3 =	sadd.s32 $0x88, s3;
	s6 =	simm.s32 @!p1 $0x1082;
	[sflag:s4] =	ssyncset.s32 $0xFFFFF086  }
0x25: {  	[simem:s6], [sflag:s4] =	dma.local [hbm:s3], $0xF7A  }
0x26: {  	[smem:$0x3F9D] =	sst s1;
	(tag) =	ssettag s2;
	_ =	strace s9  }
0x27: {  	s1 =	sld [smem:$0x3FAD]  }
0x28: {  	s2 =	sld [smem:$0x3FAE]  }
0x29: {  	s4 =	sld [smem:$0x3FB0]  }
0x2a: {  	p0 =	seq.s32 s5, $0x0;
	s5 =	sld [smem:$0x3FB1]  }
0x2b: {  	s6 =	sld [smem:$0x3FB2]  }
0x2c: {  	s7 =	sld [smem:$0x3FB3]  }
0x2d: {  	s3 =	simm.s32 $0x108;
	s8 =	sld [smem:$0x3FB4]  }
0x2e: {  	s3 =	simm.s32 @!p0 $0x1082;
	s9 =	sld [smem:$0x3FB5]  }
0x2f: {  	lr =	sadd.s32 s0, s3;
	s0 =	sld [smem:$0x3FAC]  }
0x30: {  	s3 =	sld [smem:$0x3FAF]  }
0x31: {  	[smem:$0x3FB8] =	sst s10  }
0x32: {  	s10 =	sld [smem:$0x3FB6];
	_ =	sdelay $0x3  }
0x33: {  	p0 =	seq.s32 s10, $0x1;
	s10 =	sld [smem:$0x3FB8];
	_ =	sdelay $0x3  }
0x34: {  	[smem:$0x3FB8] =	sst s10  }
0x35: {  	s10 =	sld [smem:$0x3FB7];
	_ =	sdelay $0x3  }
0x36: {  	p1 =	seq.s32 s10, $0x1;
	s10 =	sld [smem:$0x3FB8];
	_ =	sdelay $0x3  }
0x37: {  	[smem:$0x3FB8] =	sst s10  }
0x38: {  	s10 =	sld [smem:$0x3FB9]  }
0x39: {  	_ = 	snop;
	(pc) =	sbr.ind lr, $3  }
0x3a: {  	_ = 	snop  }
0x3b: {  	_ = 	snop  }
0x3c: {  	p2 =	seq.s32 s10, $0x1;
	s10 =	sld [smem:$0x3FB8]  }
0x3d: {  	_ =	shalt  }
0x3e: {  	_ =	shalt  }
0x3f: {  	_ =	shalt  }
0x40: {  	_ =	shalt  }
0x41: {  	_ =	shalt  }
0x42: {  	_ =	shalt  }
0x43: {  	_ =	shalt  }
0x44: {  	_ =	shalt  }
0x45: {  	_ =	shalt  }
0x46: {  	_ =	shalt  }
0x47: {  	_ =	shalt  }
0x48: {  	_ =	shalt  }
0x49: {  	_ =	shalt  }
0x4a: {  	_ =	shalt  }
0x4b: {  	_ =	shalt  }
0x4c: {  	_ =	shalt  }
0x4d: {  	_ =	shalt  }
0x4e: {  	_ =	shalt  }
0x4f: {  	_ =	shalt  }
0x50: {  	_ =	shalt  }
0x51: {  	_ =	shalt  }
0x52: {  	_ =	shalt  }
0x53: {  	_ =	shalt  }
0x54: {  	_ =	shalt  }
0x55: {  	_ =	shalt  }
0x56: {  	_ =	shalt  }
0x57: {  	_ =	shalt  }
0x58: {  	_ =	shalt  }
0x59: {  	_ =	shalt  }
0x5a: {  	_ =	shalt  }
0x5b: {  	_ =	shalt  }
0x5c: {  	_ =	shalt  }
0x5d: {  	_ =	shalt  }
0x5e: {  	_ =	shalt  }
0x5f: {  	_ =	shalt  }
0x60: {  	_ =	shalt  }
0x61: {  	_ =	shalt  }
0x62: {  	_ =	shalt  }
0x63: {  	_ =	shalt  }
0x64: {  	_ =	shalt  }
0x65: {  	_ =	shalt  }
0x66: {  	_ =	shalt  }
0x67: {  	_ =	shalt  }
0x68: {  	_ =	shalt  }
0x69: {  	_ =	shalt  }
0x6a: {  	_ =	shalt  }
0x6b: {  	_ =	shalt  }
0x6c: {  	_ =	shalt  }
0x6d: {  	_ =	shalt  }
0x6e: {  	_ =	shalt  }
0x6f: {  	_ =	shalt  }
0x70: {  	_ =	shalt  }
0x71: {  	_ =	shalt  }
0x72: {  	_ =	shalt  }
0x73: {  	_ =	shalt  }
0x74: {  	_ =	shalt  }
0x75: {  	_ =	shalt  }
0x76: {  	_ =	shalt  }
0x77: {  	_ =	shalt  }
0x78: {  	_ =	shalt  }
0x79: {  	_ =	shalt  }
0x7a: {  	_ =	shalt  }
0x7b: {  	_ =	shalt  }
0x7c: {  	_ =	shalt  }
0x7d: {  	_ =	shalt  }
0x7e: {  	_ =	shalt  }
0x7f: {  	_ =	shalt  }
0x80: {  	_ =	shalt  }
0x81: {  	_ =	shalt  }
0x82: {  	_ =	shalt  }
0x83: {  	_ =	shalt  }
0x84: {  	_ =	shalt  }
0x85: {  	_ =	shalt  }
0x86: {  	_ =	shalt  }
0x87: {  	_ =	shalt  }
.Lfunc_end0:
.L_simem_size_0:
called_computation_lowered:
.L_overlay_start_0:
0x88: {  	s2 =	sld [smem:$0x3FD9]  }
0x89: {  	s3 =	sld [smem:$0x3FFE];
	_ =	sdelay $0x1  }
0x8a: {  	s1 =	srdreg.scid  }
0x8b: {  	s0 =	sand.u32 $0x1, s1  }
0x8c: {  	s17 =	sshll.u32 s0, $0xA;
	s2 =	sadd.s32 s3, s2  }
0x8d: {  	s2 =	sadd.s32 s2, s17  }
0x8e: {  	[smem:$0x3FC4] =	sst s2  }
0x8f: {  	_ = 	snop  }
0x90: {  	s2 =	sld [smem:$0x3FD0];
	(tm) =	ssettm $0x1  }
0x91: {  	s18 =	sld [smem:$0x3FFB];
	_ =	sdelay $0x3  }
0x92: {  	_ =	strace s18  }
0x93: {  	s3 =	sld [smem:$0x3FFC];
	_ =	sdelay $0x3  }
0x94: {  	_ =	strace s3  }
0x95: {  	s3 =	sld [smem:$0x3FFD];
	_ =	sdelay $0x3  }
0x96: {  	_ =	strace s3  }
0x97: {  	_ =	strace $0x8FFFFFFF  }
0x98: {  	s19 =	sld [smem:$0x3FDB];
	_ =	sdelay $0x1  }
0x99: {  	s4 =	simm.s32 $_scs_section_size  }
0x9a: {  	s5 =	simm.s32 $_size__tile_overlayer_lowered;
	s6 =	simm.s32 $_tile_overlayer_lowered  }
0x9b: {  	s22 =	simm.s32 $0x1BFF;
	s21 =	sshll.u32 s6, $0x1;
	s3 =	sadd.s32 s4, s19  }
0x9c: {  	s7 =	simm.s32 $0x0;
	s20 =	sshll.u32 s5, $0x1;
	s5 =	sadd.s32 s21, s3  }
0x9d: {  	[timem:s7], [sflag:s22] =	dma.local [hbm:s5], s20  }
0x9e: {  	_ =	swait.ge [sflag:s22], s20  }
0x9f: {  	s4 =	ssub.s32 $0x0, s20;
	[sflag:s22] =	ssyncset.done $0x0  }
0xa0: {  	[sflag:s22] =	ssyncadd.s32 s4;
	_ =	sdelay $0x1  }
0xa1: {  	s23 =	simm.s32 $0x1B8B  }
0xa2: {  	_ =	swait.ge [sflag:s23], $0x1  }
0xa3: {  	[sflag:s23] =	ssyncset.done $0x0  }
0xa4: {  	s25 =	simm.s32 $0x1B8E;
	s24 =	sld [smem:$0x3FFE];
	[sflag:s23] =	ssyncadd.s32 $0xFFFFFFFF  }
0xa5: {  	s26 =	simm.s32 $execute0_lowered;
	[smem:$0x3FD2] =	sst s25  }
0xa6: {  	s5 =	sshll.u32 s26, $0x1;
	_ =	strace $0x80000046;
	[dreg:$0x1] =	wrdreg $0xFFFFFFFF  }
0xa7: {  	s28 =	simm.s32 $_size_execute0_lowered;
	s3 =	sadd.s32 s3, s5;
	[dreg:$0x0] =	wrdreg $0x0  }
0xa8: {  	s5 =	sshll.u32 s28, $0x1;
	[dreg:$0x2] =	wrdreg s3  }
0xa9: {  	[dreg:$0x3] =	wrdreg s5  }
0xaa: {  	[dreg:$0x4] =	wrdreg $0xC0  }
0xab: {  	_ =	task [dreg:s7], $0x5FFFF  }
0xac: {  	[dreg:$0x1] =	wrdreg $0xFFFFFFFF  }
0xad: {  	[dreg:$0x0] =	wrdreg $0x60  }
0xae: {  	[dreg:$0x2] =	wrdreg s24  }
0xaf: {  	[dreg:$0x3] =	wrdreg s2  }
0xb0: {  	[dreg:$0x4] =	wrdreg $0x11A800  }
0xb1: {  	[dreg:$0x5] =	wrdreg $0x9  }
0xb2: {  	_ =	task.clear_ibuf [dreg:s7], $0x6FFFF;
	_ =	strace $0x90000046  }
0xb3: {  	s29 =	simm.s32 $0x9;
	_ =	strace $0x80000048  }
0xb4: {  	_ =	swait.ge [sflag:s29], $0x1  }
0xb5: {  	[sflag:s29] =	ssyncadd.s32 $0xFFFFFFFF  }
0xb6: {  	_ =	strace $0x90000048  }
0xb7: {  	_ =	sfence  }
0xb8: {  	s30 =	sld [smem:$0x0];
	_ =	sdelay $0x2  }
0xb9: {  	s31 =	sshll.u32 s1, $0xD;
	s1 =	sshrl.u32 s1, $0x2  }
0xba: {  	s3 =	sand.u32 $0x4000, s31;
	s1 =	sadd.s32 s1, s30  }
0xbb: {  	s0 =	sor.u32 s3, s0;
	s1 =	sshll.u32 s1, $0x11  }
0xbc: {  	s0 =	sor.u32 s1, s0  }
0xbd: {  	s0 =	sadd.s32 $0x8F2B, s0  }
0xbe: {  	[sflag:s0] =	ssyncadd.remote.s32 $0x1  }
0xbf: {  	_ =	sfence.sel $0xFFFF  }
0xc0: {  	[dreg:$0x0] =	wrdreg $0xFFFFFFFF;
	(pc) =	sbr.abs _section_cstart, $3  }
0xc1: {  	[dreg:$0x1] =	wrdreg $0xFFFFFFFF  }
0xc2: {  	_ =	task.clear_ibuf [dreg:s7], $0x2FFFF;
	_ =	strace $0x9FFFFFFF  }
0xc3: {  	(tm) =	ssettm $0x7FFFFFFF  }
tec
execute0_lowered:
.L_overlay_start_1:
0x0: {  	(tag) =	ssettag $0x1  }
0x1: {  	s0 =	rddreg [dreg:$0x0]  }
0x2: {  	s2 =	rddreg [dreg:$0x1]  }
0x3: {  	s15 =	rddreg [dreg:$0x2]  }
0x4: {  	s1 =	srdreg.scid;
	s23 =	stileid.u32  }
0x5: {  	s3 =	simm.s32 $0x0;
	s17 =	simm.s32 $0x4F00;
	s18 =	simm.s32 $0x80  }
0x6: {  	s19 =	simm.s32 $0x400;
	s28 =	simm.s32 $0x7B00;
	s29 =	simm.s32 $0x0  }
0x7: {  	s4 =	sand.u32 $0x1, s1;
	s7 =	sshll.u32 s23, $0xA;
	[smem:$0x7FF] =	sst s3  }
0x8: {  	s10 =	sadd.s32 $0x15C00, s0;
	s25 =	sshll.u32 s23, $0x7;
	p0 =	sgt.u32 s23, $0x9  }
0x9: {  	s5 =	sshll.u32 s4, $0x4;
	s6 =	smul.u32 $0x2800, s4;
	_ =	strace $0x80000047  }
0xa: {  	s4 =	ssub.s32 $0x2, s4;
	s12 =	sand.u32 $0x380, s25;
	s5 =	sor.u32 s23, s5  }
0xb: {  	s25 =	simm.s32 $0x11A00;
	s24 =	sshrl.u32 s4, $0x1;
	s8 =	smul.u32 $0x4E2, s5  }
0xc: {  	s6 =	sadd.s32 s7, s6;
	s9 =	sshrl.u32 s5, $0x3;
	s14 =	ssub.s32 s4, s24  }
0xd: {  	s24 =	simm.s32 $0x11980;
	s6 =	sshrl.u32 s6, $0x3;
	s11 =	smul.u32 $0x13C00, s9  }
0xe: {  	s9 =	sshll.u32 s9, $0xA;
	s14 =	smax.u32 s14, $0x1;
	s8 =	sadd.s32 s8, s0  }
0xf: {  	s13 =	sadd.s32 s6, s0;
	s0 =	sadd.s32 $0x29800, s0;
	s6 =	sadd.s32 s7, s15  }
0x10: {  	s15 =	simm.s32 $0x1;
	s4 =	sadd.s32 $0xB400, s8;
	s5 =	sadd.s32 $0x1600, s8  }
0x11: {  	s26 =	sor.u32 s12, s11;
	s12 =	sor.u32 s12, s9;
	s13 =	sadd.s32 $0x15200, s13  }
0x12: {  	s30 =	sshrl.u32 s26, $0x3;
	s11 =	sadd.s32 $0x4F000, s26;
	s31 =	sshrl.u32 s12, $0x3  }
0x13: {  	s26 =	simm.s32 $0x50;
	s7 =	sadd.s32 s2, s30;
	s11 =	sshrl.u32 s11, $0x3  }
0x14: {  	s8 =	sadd.s32 s10, s30;
	s9 =	sadd.s32 s2, s11;
	s2 =	sor.u32 $0x200, s31  }
0x15: {  	v0 =	vimm.f32 $0.0e+00;
	v1 =	vimm.s32 $0xFFFFFFFF;
	v2 =	vimm.f32 $1.000000000e+00;
	s10 =	sadd.s32 s10, s11;
	s11 =	sadd.s32 s0, s31;
	s12 =	sadd.s32 s0, s2  }
.LBB2_1:
0x16: {  	[tilespmem:s3], [sflag:$0x1] =	stream.linear.gather [hbm4b:s4+s3], $0x2710, $0x38;
	[tilespmem:$0x11D00] =	vst v63  }
0x17: {  	_ =	swait.ge [sflag:s15], $0x2710  }
0x18: {  	[sflag:s15] =	ssyncset.done $0x0  }
0x19: {  	s0 =	simm.s32 $0x2780;
	[sflag:s15] =	ssyncadd.s32 $0xFFFFD8F0  }
0x1a: {  	[tilespmem:s0], [sflag:$0x1] =	stream.linear.gather [hbm4b:s5+s3], $0x2710, $0x38;
	[tilespmem:$0x11D00] =	vst v63  }
0x1b: {  	p2 =	por $0x0, $0x0;
	_ =	swait.ge [sflag:s15], $0x2710  }
0x1c: {  	p1 =	por @!p2 $0x0, $0x0;
	[sflag:s15] =	ssyncset.done $0x0  }
0x1d: {  	p1 =	por p1, p2;
	[sflag:s15] =	ssyncadd.s32 $0xFFFFD8F0  }
0x1e: {  	s30 =	simm.s32 $0x7700;
	s31 =	simm.s32 $0x1;
	s2 =	simm.s32 $0x7B10;
	v3 =	vimm.f32 @!p2 $0.0e+00;
	v4 =	vlaneseq.u32 @!p1;
	[tilespmem:s17+$0x0] =	vst v0  }
0x1f: {  	s20 =	simm.s32 $0x7B00;
	s16 =	simm.s32 $0x4F00;
	s0 =	simm.s32 $0x10;
	[tilespmem:s30+$0x0] =	vst @!p2 v3;
	v3 =	vor.u32 @!p1 s3, v4  }
.LBB2_2:
0x20: {  	s16 =	sadd.s32 $0x10, s16;
	s21 =	smov.u32 s31;
	s31 =	sadd.s32 $0x1, s31  }
0x21: {  	[tilespmem:s20+$0x0] =	vst @!p1 v3;
	s30 =	sadd.s32 $0x10, s30;
	s20 =	smov.u32 s2;
	p2 =	sne.s32 s31, $0x280  }
.Ltmp0:
0x22: {  	p1 =	sgt.u32 s21, $0x3F;
	(pc) =	sbr.rel @p2 .LBB2_2-.Ltmp0, $4  }
0x23: {  	[tilespmem:s16+$0x0] =	vst v0;
	v3 =	vimm.f32 @!p1 $0.0e+00;
	p3 =	sgt.u32 @!p1 s21, $0x4  }
0x24: {  	[tilespmem:s30+$0x0] =	vst @!p1 v3;
	p1 =	por p3, p1  }
0x25: {  	v3 =	vlaneseq.u32 @!p1  }
0x26: {  	s2 =	sadd.s32 $0x10, s2;
	v3 =	vor.u32 @!p1 s0, v3;
	s0 =	sadd.s32 $0x10, s0  }
0x27: {  	[tilespmem:s20+$0x0] =	vst @!p1 v3;
	s0 =	simm.s32 @!p0 $0x7700  }
0x28: {  	[spmem:s6] =	stream.linear.scatter @!p0 [tilespmem:s0], [sflag:$0x1], $0x400, $0x38;
	[tilespmem:$0x11D00] =	vst v63  }
0x29: {  	s0 =	simm.s32 @!p0 $0x1  }
0x2a: {  	_ =	swait.ge @!p0 [sflag:s0], $0x400  }
0x2b: {  	s30 =	simm.s32 $0x0;
	[sflag:s0] =	ssyncset.done @!p0 $0x0  }
0x2c: {  	s2 =	simm.s32 $0x40;
	[sflag:s0] =	ssyncadd.s32 @!p0 $0xFFFFFC00;
	s0 =	simm.s32 $0x0  }
.LBB2_4:
0x2d: {  	p1 =	sne.s32 s2, $0x9D40;
	[tilespmem:s0+$0xF200] =	vst v1;
	s16 =	smov.u32 s2;
	s2 =	sadd.s32 $0x40, s2  }
.Ltmp1:
0x2e: {  	[tilespmem:s0+$0xCA80] =	vst v1;
	(pc) =	sbr.rel @p1 .LBB2_4-.Ltmp1, $3  }
0x2f: {  	[tilespmem:s0+$0x7B80] =	vst v1  }
0x30: {  	[tilespmem:s0+$0xA300] =	vst v1;
	_ =	sdelay $0x1  }
0x31: {  	s0 =	sshra.s32 s16, $0x2  }
0x32: {  	[tilespmem:s0+$0xF200] =	vst v1  }
0x33: {  	[tilespmem:s0+$0xCA80] =	vst v1  }
0x34: {  	[tilespmem:s0+$0x7B80] =	vst v1  }
0x35: {  	[tilespmem:s0+$0xA300] =	vst v1;
	s22 =	simm.s32 $0x0  }
0x36: {  	v3 =	vld [tilespmem:s22+$0x2780];
	_ =	sdelay $0x4  }
0x37: {  	vm0 =	vlt.u32 v3, $0x1388  }
0x38: {  	vm1 =	vgt.s32 v3, $0x1387;
	v4 =	vmpcnt.ones.xlane vm0  }
0x39: {  	v5 =	vmpcnt.ones.xlane vm1  }
0x3a: {  	v4 =	vxor.u32 $0x80000000, v4  }
0x3b: {  	vm2 =	vgt.s32 v3, $0xFFFFFFFF;
	v5 =	vxor.u32 $0x80000000, v5;
	(xrf0) =	vmax.scan.msk.u32 $0xffff, v4  }
0x3c: {  	v4 =	vnsel vm2, $0x27FF, v3;
	(xrf0) =	vmax.scan.msk.u32 $0xffff, v5  }
0x3d: {  	v5 =	vld [tilespmem:s22+$0x0];
	_ =	sdelay $0x3  }
0x3e: {  	[tilespmem:v4+s17+$0x0] =	vst.idx.add.f32.msk $0xffff, v2;
	v6, _, _ =	vpop (xrf0)  }
0x3f: {  	[tilespmem:s30+$0x7B80] =	vst.msk vm0, v5;
	(v2sf) =	vpush v6, $0xF;
	v4, _, _ =	vpop (xrf0)  }
0x40: {  	[tilespmem:s30+$0xA300] =	vst.msk vm0, v3;
	(v2sf) =	vpush v4, $0xF  }
0x41: {  	v3 =	vadd.s32 $0xFFFFEC78, v3;
	[tilespmem:s30+$0xCA80] =	vst.msk vm1, v5  }
0x42: {  	s23 =	simm.s32 $0x10;
	[tilespmem:s30+$0xF200] =	vst.msk vm1, v3  }
0x43: {  	v3 =	vld [tilespmem:s23+$0x2780];
	_ =	sdelay $0x4  }
0x44: {  	vm0 =	vgt.s32 v3, $0xFFFFFFFF;
	vm1 =	vlt.u32 v3, $0x1388  }
0x45: {  	v5 =	vnsel vm0, $0x27FF, v3;
	vm0 =	vgt.s32 v3, $0x1387;
	v4 =	vmpcnt.ones.xlane vm1  }
0x46: {  	v6 =	vmpcnt.ones.xlane vm0  }
0x47: {  	v4 =	vxor.u32 $0x80000000, v4  }
0x48: {  	v6 =	vxor.u32 $0x80000000, v6;
	(xrf0) =	vmax.scan.msk.u32 $0xffff, v4  }
0x49: {  	v4 =	vld [tilespmem:s23+$0x0];
	(xrf0) =	vmax.scan.msk.u32 $0xffff, v6  }
0x4a: {  	s31 =	spop (v2sf)  }
0x4b: {  	s2 =	simm.s32 $0x80;
	[tilespmem:v5+s17+$0x0] =	vst.idx.add.f32.msk $0xffff, v2;
	s16 =	sadd.s32 $0x0, s31;
	s0 =	spop (v2sf)  }
.LBB2_6:
0x4c: {  	s16 =	sadd.s32 $0x80000000, s16  }
0x4d: {  	s0 =	sadd.s32 s0, s30;
	s20 =	smov.u32 s2;
	s21 =	sadd.s32 $0x40, s2  }
0x4e: {  	p1 =	sne.s32 s2, $0x9C00;
	[tilespmem:s16+$0x7B80] =	vst.msk vm1, v4;
	v5, _, _ =	vpop (xrf0);
	s30 =	sadd.s32 $0x80000000, s0  }
0x4f: {  	[tilespmem:s16+$0xA300] =	vst.msk vm1, v3;
	(v2sf) =	vpush v5, $0xF;
	v5, _, _ =	vpop (xrf0)  }
0x50: {  	v3 =	vadd.s32 $0xFFFFEC78, v3;
	[tilespmem:s30+$0xCA80] =	vst.msk vm0, v4;
	(v2sf) =	vpush v5, $0xF  }
0x51: {  	s0 =	sshra.s32 s20, $0x2;
	[tilespmem:s30+$0xF200] =	vst.msk vm0, v3  }
0x52: {  	v3 =	vld [tilespmem:s0+$0x2780];
	_ =	sdelay $0x4  }
0x53: {  	vm2 =	vgt.s32 v3, $0xFFFFFFFF;
	vm1 =	vlt.u32 v3, $0x1388;
	vm0 =	vgt.s32 v3, $0x1387  }
0x54: {  	v5 =	vnsel vm2, $0x27FF, v3;
	v4 =	vmpcnt.ones.xlane vm1;
	v6 =	vmpcnt.ones.xlane vm0;
	_ =	sdelay $0x1  }
0x55: {  	v4 =	vxor.u32 $0x80000000, v4;
	v6 =	vxor.u32 $0x80000000, v6  }
.Ltmp2:
0x56: {  	(xrf0) =	vmax.scan.msk.u32 $0xffff, v4;
	(pc) =	sbr.rel @p1 .LBB2_6-.Ltmp2, $4  }
0x57: {  	v4 =	vld [tilespmem:s0+$0x0];
	(xrf0) =	vmax.scan.msk.u32 $0xffff, v6  }
0x58: {  	[tilespmem:v5+s17+$0x0] =	vst.idx.add.f32.msk $0xffff, v2  }
0x59: {  	s0 =	spop (v2sf)  }
0x5a: {  	s2 =	smov.u32 s21;
	s16 =	sadd.s32 s0, s16;
	s0 =	spop (v2sf)  }
0x5b: {  	_ = 	snop  }
0x5c: {  	v5, _, _ =	vpop (xrf0)  }
0x5d: {  	(v2sf) =	vpush v5, $0xF;
	_ =	sdelay $0x1  }
0x5e: {  	v63, _, _ =	vpop (xrf0)  }
0x5f: {  	(v2sf) =	vpush v63, $0xF;
	_ =	sdelay $0xb  }
0x60: {  	s31 =	sadd.s32 $0x80000000, s16;
	s2 =	spop (v2sf)  }
0x61: {  	s2 =	sadd.s32 s2, s31  }
0x62: {  	s0 =	sadd.s32 s0, s30;
	s2 =	sadd.s32 $0x80000000, s2  }
0x63: {  	s30 =	sadd.s32 $0x80000000, s0;
	s22 =	spop (v2sf);
	s16 =	sadd.s32 $0x6F, s2  }
0x64: {  	s0 =	sadd.s32 s22, s30;
	s20 =	smulhi.u32 $0x92492493, s16;
	s21 =	sshra.s32 s16, $0x1F  }
0x65: {  	s0 =	sadd.s32 $0x80000000, s0;
	s2 =	ssub.s32 $0xFFFFFF91, s2;
	s21 =	smul.u32 $0x92492493, s21  }
0x66: {  	s1 =	sadd.s32 $0x6F, s0;
	s20 =	sadd.s32 s2, s20  }
0x67: {  	s22 =	sshra.s32 s1, $0x1F;
	s20 =	sadd.s32 s21, s20;
	s21 =	smulhi.u32 $0x92492493, s1  }
0x68: {  	s0 =	ssub.s32 $0xFFFFFF91, s0;
	s22 =	smul.u32 $0x92492493, s22;
	s20 =	sadd.s32 s16, s20  }
0x69: {  	s23 =	sshrl.u32 s20, $0x1F;
	s20 =	sshra.s32 s20, $0x6;
	s21 =	sadd.s32 s0, s21  }
0x6a: {  	s20 =	sadd.s32 s23, s20;
	s21 =	sadd.s32 s22, s21  }
0x6b: {  	s22 =	smul.u32 $0xFFFFFF90, s20;
	s21 =	sadd.s32 s1, s21  }
0x6c: {  	s23 =	sshrl.u32 s21, $0x1F;
	s21 =	sshra.s32 s21, $0x6  }
0x6d: {  	p2 =	sne.s32 s22, s2;
	s2 =	sadd.s32 s23, s21  }
0x6e: {  	p1 =	slt.s32 s16, $0x1;
	s23 =	smul.u32 $0xFFFFFF90, s2  }
0x6f: {  	p6 =	slt.s32 s1, $0x1;
	p1 =	por !p1, !p2  }
0x70: {  	s21 =	simm.s32 $0x1;
	p1 =	por !p1, !p1;
	p3 =	sne.s32 s23, s0  }
0x71: {  	s21 =	simm.s32 @!p1 $0x0;
	p2 =	por !p6, !p3  }
0x72: {  	s1 =	simm.s32 $0x1;
	s0 =	ssub.s32 s20, s21;
	p1 =	por !p2, !p2  }
0x73: {  	s22 =	sadd.s32 $0x2, s0;
	s1 =	simm.s32 @!p1 $0x0  }
0x74: {  	s20 =	smulhi.u32 $0x55555556, s22;
	s16 =	sshra.s32 s22, $0x1F;
	s1 =	ssub.s32 s2, s1  }
0x75: {  	s23 =	smul.u32 $0x55555556, s16;
	s21 =	sadd.s32 $0x2, s1  }
0x76: {  	s22 =	smulhi.u32 $0x55555556, s21;
	s16 =	sshra.s32 s21, $0x1F  }
0x77: {  	s16 =	smul.u32 $0x55555556, s16  }
0x78: {  	s2 =	sadd.s32 s23, s20  }
0x79: {  	s20 =	sshrl.u32 s2, $0x1F;
	s16 =	sadd.s32 s16, s22  }
0x7a: {  	s2 =	sadd.s32 s20, s2;
	s23 =	sshrl.u32 s16, $0x1F  }
0x7b: {  	s21 =	smul.u32 $0xFFFFFFFD, s2;
	s16 =	sadd.s32 s23, s16  }
0x7c: {  	s22 =	ssub.s32 $0xFFFFFFFE, s0;
	s23 =	smul.u32 $0xFFFFFFFD, s16  }
0x7d: {  	p4 =	slt.s32 s0, $0xFFFFFFFF;
	s20 =	ssub.s32 $0xFFFFFFFE, s1;
	p3 =	sne.s32 s21, s22  }
0x7e: {  	p5 =	slt.s32 s1, $0xFFFFFFFF;
	p1 =	por !p4, !p3;
	p6 =	sne.s32 s23, s20  }
0x7f: {  	s0 =	simm.s32 $0x1;
	p1 =	por !p1, !p1;
	p2 =	por !p5, !p6  }
0x80: {  	s1 =	simm.s32 $0x1;
	s0 =	simm.s32 @!p1 $0x0;
	p1 =	por !p2, !p2  }
0x81: {  	[tilespmem:s31+$0x7B80] =	vst.msk vm1, v4;
	s0 =	ssub.s32 s2, s0;
	s1 =	simm.s32 @!p1 $0x0  }
0x82: {  	[tilespmem:s31+$0xA300] =	vst.msk vm1, v3;
	s0 =	smul.u32 $0x3, s0;
	s1 =	ssub.s32 s16, s1  }
0x83: {  	v3 =	vadd.s32 $0xFFFFEC78, v3;
	[tilespmem:s30+$0xCA80] =	vst.msk vm0, v4;
	s1 =	smul.u32 $0x3, s1  }
0x84: {  	[tilespmem:s30+$0xF200] =	vst.msk vm0, v3;
	v3 =	vmov s0  }
0x85: {  	[tilespmem:$0x11980] =	vst v3;
	v3 =	vmov s1  }
0x86: {  	s21 =	simm.s32 $0x7B80;
	[tilespmem:$0x11A00] =	vst v3  }
0x87: {  	[hbm4b:s7+s18] =	stream.strided.scatter [tilespmem:s21], [sflag:$0x1], $0x2780, s19, s18, $0x38;
	[tilespmem:$0x11D00] =	vst v63  }
0x88: {  	_ =	swait.ge [sflag:s15], $0x2780  }
0x89: {  	[sflag:s15] =	ssyncset.done $0x0  }
0x8a: {  	s22 =	simm.s32 $0xA300;
	[sflag:s15] =	ssyncadd.s32 $0xFFFFD880  }
0x8b: {  	[hbm4b:s8+s18] =	stream.strided.scatter [tilespmem:s22], [sflag:$0x1], $0x2780, s19, s18, $0x38;
	[tilespmem:$0x11D00] =	vst v63  }
0x8c: {  	_ =	swait.ge [sflag:s15], $0x2780  }
0x8d: {  	[sflag:s15] =	ssyncset.done $0x0  }
0x8e: {  	s23 =	simm.s32 $0xCA80;
	[sflag:s15] =	ssyncadd.s32 $0xFFFFD880  }
0x8f: {  	[hbm4b:s9+s18] =	stream.strided.scatter [tilespmem:s23], [sflag:$0x1], $0x2780, s19, s18, $0x38;
	[tilespmem:$0x11D00] =	vst v63  }
0x90: {  	_ =	swait.ge [sflag:s15], $0x2780  }
0x91: {  	[sflag:s15] =	ssyncset.done $0x0  }
0x92: {  	s30 =	simm.s32 $0xF200;
	[sflag:s15] =	ssyncadd.s32 $0xFFFFD880  }
0x93: {  	[hbm4b:s10+s18] =	stream.strided.scatter [tilespmem:s30], [sflag:$0x1], $0x2780, s19, s18, $0x38;
	[tilespmem:$0x11D00] =	vst v63  }
0x94: {  	_ =	swait.ge [sflag:s15], $0x2780  }
0x95: {  	[sflag:s15] =	ssyncset.done $0x0  }
0x96: {  	[sflag:s15] =	ssyncadd.s32 $0xFFFFD880  }
0x97: {  	[hbm4b:s11+s3] =	stream.linear.scatter [tilespmem:s24], [sflag:$0x1], $0x80, $0x38;
	[tilespmem:$0x11D00] =	vst v63  }
0x98: {  	_ =	swait.ge [sflag:s15], $0x80  }
0x99: {  	[sflag:s15] =	ssyncset.done $0x0  }
0x9a: {  	[sflag:s15] =	ssyncadd.s32 $0xFFFFFF80  }
0x9b: {  	[hbm4b:s12+s3] =	stream.linear.scatter [tilespmem:s25], [sflag:$0x1], $0x80, $0x38;
	[tilespmem:$0x11D00] =	vst v63  }
0x9c: {  	_ =	swait.ge [sflag:s15], $0x80  }
0x9d: {  	[sflag:s15] =	ssyncset.done $0x0  }
0x9e: {  	[sflag:s15] =	ssyncadd.s32 $0xFFFFFF80  }
0x9f: {  	[bflag:$0x0] =	sbarrier.arrive $0xFFFF  }
0xa0: {  	s31 =	rddreg [dreg:$0x2]  }
0xa1: {  	[spmem:s31] =	stream.indirect.scatter.add.f32 [tilespmem:s17], [sflag:$0x1], $0x80, s28, s26, $0xb8;
	[tilespmem:$0x11D00] =	vst v63  }
0xa2: {  	_ =	swait.ge [sflag:s15], $0x2800  }
0xa3: {  	s29 =	sadd.s32 $0x1, s29;
	s0 =	stileid.u32;
	[sflag:s15] =	ssyncset.done $0x0  }
0xa4: {  	p1 =	sne.s32 s29, s14;
	s0 =	sshll.u32 @!p0 s0, $0x6;
	[sflag:s15] =	ssyncadd.s32 $0xFFFFD800  }
0xa5: {  	s0 =	sor.u32 @!p0 $0x1C01, s0;
	s1 =	sshrl.u32 @!p0 s6, $0x3;
	[bflag:$0x0] =	sbarrier.arrive $0xFFFF  }
0xa6: {  	[hbm:s13], [sflag:s0] =	dma.local @!p0 [spmem:s1], $0x80  }
.Ltmp3:
0xa7: {  	_ = 	snop;
	(pc) =	sbr.rel @p1 .LBB2_1-.Ltmp3, $4  }
0xa8: {  	s0 =	simm.s32 @!p0 $0x1  }
0xa9: {  	_ =	swait.ge @!p0 [sflag:s0], $0x80  }
0xaa: {  	[sflag:s0] =	ssyncset.done @!p0 $0x0  }
0xab: {  	[sflag:s0] =	ssyncadd.s32 @!p0 $0xFFFFFF80  }
0xac: {  	_ =	sfence.sel $0x180000  }
0xad: {  	[bflag:$0x0] =	sbarrier.arrive $0xFFFF  }
0xae: {  	_ =	strace $0x90000047  }
0xaf: {  	s0 =	stileid.u32;
	[bflag:$0x2] =	sbarrier.arrive $0xFFFF  }
0xb0: {  	p0 =	sne.s32 s0, $0x0;
	s0 =	rddreg [dreg:$0x3]  }
0xb1: {  	s0 =	sadd.s32 @!p0 $0x100000, s0  }
0xb2: {  	[sflag:s0] =	ssyncadd.tile.s32 @!p0 $0x1;
	_ =	shalt  }
.Lfunc_end2:
_tile_overlayer_lowered:
.L_overlay_start_2:
0xb3: {  	(tag) =	ssettag $0x2  }
0xb4: {  	s0 =	rddreg [dreg:$0x0];
	s2 =	stileid.u32  }
0xb5: {  	s1 =	rddreg [dreg:$0x1];
	p0 =	sne.s32 s2, $0x0  }
0xb6: {  	s3 =	rddreg [dreg:$0x2];
	[bflag:$0x3] =	sbarrier.arrive $0xFFFF;
	s2 =	simm.s32 @!p0 $0x1C01  }
0xb7: {  	[timem:s3], [sflag:s2] =	dma.local @!p0 [hbm:s0], s1  }
0xb8: {  	s0 =	simm.s32 @!p0 $0x1  }
0xb9: {  	_ =	swait.ge @!p0 [sflag:s0], s1  }
0xba: {  	s1 =	ssub.s32 @!p0 $0x0, s1;
	[sflag:s0] =	ssyncset.done @!p0 $0x0  }
0xbb: {  	[sflag:s0] =	ssyncadd.s32 @!p0 s1  }
0xbc: {  	[bflag:$0x3] =	sbarrier.arrive $0xFFFF  }
0xbd: {  	_ =	shalt  }

// kernel: kernel.9.cloned.1.call-start
scs
__scs_entry_jumppad:
0x0: {  	(pc) =	sbr.rel $0x88, $3  }
0x1: {  	(tag) =	ssettag $0x0;
	lr =	simm.s32 $0x1  }
0x2: {  	[smem:$0x3F9D] =	sst lr;
	_ =	strace $0xD0000000  }
0x3: {  	_ = 	snop  }
0x4: {  	_ = 	snop  }
0x5: {  	_ = 	snop  }
0x6: {  	_ = 	snop  }
0x7: {  	_ = 	snop  }
__scs_overlays_trampoline_lowered:
0x8: {  	[smem:$0x3FAC] =	sst s0  }
0x9: {  	[smem:$0x3FAD] =	sst s1  }
0xa: {  	[smem:$0x3FAE] =	sst s2  }
0xb: {  	[smem:$0x3FAF] =	sst s3  }
0xc: {  	[smem:$0x3FB0] =	sst s4  }
0xd: {  	[smem:$0x3FB1] =	sst s5  }
0xe: {  	[smem:$0x3FB2] =	sst s6  }
0xf: {  	[smem:$0x3FB3] =	sst s7  }
0x10: {  	[smem:$0x3FB4] =	sst s8  }
0x11: {  	[smem:$0x3FB5] =	sst s9;
	s0 =	simm.s32 @!p0 $0x0  }
0x12: {  	s1 =	sld [smem:$0x3F9B];
	s0 =	simm.s32 @p0 $0x1  }
0x13: {  	[smem:$0x3FB6] =	sst s0;
	s0 =	simm.s32 @!p1 $0x0  }
0x14: {  	s2 =	sld [smem:$0x3F9A];
	s0 =	simm.s32 @p1 $0x1  }
0x15: {  	[smem:$0x3FB7] =	sst s0;
	s0 =	simm.s32 @!p2 $0x0  }
0x16: {  	s3 =	sld [smem:$0x3FDB];
	s0 =	simm.s32 @p2 $0x1  }
0x17: {  	s4 =	simm.s32 $0x1BF5;
	[smem:$0x3FB9] =	sst s0  }
0x18: {  	s0 =	sld [smem:$0x3F9C];
	_ =	swait.ge [sflag:s4], $0x0  }
0x19: {  	s7 =	sld [smem:$0x3F9D]  }
0x1a: {  	s8 =	sadd.s32 $0xFFFFE003, lr  }
0x1b: {  	s9 =	sadd.s32 $0xFFFFFEF7, lr;
	s5 =	simm.s32 $0xFFFFFFFF;
	p2 =	slt.u32 s8, $0xFFFFF086  }
0x1c: {  	p1 =	slt.u32 s9, $0xF7A;
	s5 =	simm.s32 @!p2 $0x0  }
0x1d: {  	s5 =	simm.s32 @p1 $0x1;
	p0 =	seq.s32 s7, s2  }
0x1e: {  	s7 =	smul.u32 @!p0 $0xF7A, s2;
	p2 =	seq.s32 @!p0 s5, $0x0  }
0x1f: {  	s9 =	smul.u32 $0xF7A, s1;
	s8 =	simm.s32 @!p0 $0x1BF5;
	p2 =	por !p2, p0  }
0x20: {  	[sflag:s8] =	ssyncset.s32 @!p0 $0xFFFFF086;
	s6 =	sadd.s32 @!p0 s3, s7;
	s7 =	simm.s32 @!p0 $0x108  }
0x21: {  	s3 =	sadd.s32 s3, s9;
	s6 =	sadd.s32 @!p0 $0x88, s6;
	s7 =	simm.s32 @p2 $0x1082  }
0x22: {  	[simem:s7], [sflag:s8] =	dma.local @!p0 [hbm:s6], $0xF7A  }
0x23: {  	s9 =	sor.u32 $0xD0000000, s2;
	s6 =	simm.s32 $0x108;
	_ =	swait.ge @!p0 [sflag:s8], $0x0  }
0x24: {  	s3 =	sadd.s32 $0x88, s3;
	s6 =	simm.s32 @!p1 $0x1082;
	[sflag:s4] =	ssyncset.s32 $0xFFFFF086  }
0x25: {  	[simem:s6], [sflag:s4] =	dma.local [hbm:s3], $0xF7A  }
0x26: {  	[smem:$0x3F9D] =	sst s1;
	(tag) =	ssettag s2;
	_ =	strace s9  }
0x27: {  	s1 =	sld [smem:$0x3FAD]  }
0x28: {  	s2 =	sld [smem:$0x3FAE]  }
0x29: {  	s4 =	sld [smem:$0x3FB0]  }
0x2a: {  	p0 =	seq.s32 s5, $0x0;
	s5 =	sld [smem:$0x3FB1]  }
0x2b: {  	s6 =	sld [smem:$0x3FB2]  }
0x2c: {  	s7 =	sld [smem:$0x3FB3]  }
0x2d: {  	s3 =	simm.s32 $0x108;
	s8 =	sld [smem:$0x3FB4]  }
0x2e: {  	s3 =	simm.s32 @!p0 $0x1082;
	s9 =	sld [smem:$0x3FB5]  }
0x2f: {  	lr =	sadd.s32 s0, s3;
	s0 =	sld [smem:$0x3FAC]  }
0x30: {  	s3 =	sld [smem:$0x3FAF]  }
0x31: {  	[smem:$0x3FB8] =	sst s10  }
0x32: {  	s10 =	sld [smem:$0x3FB6];
	_ =	sdelay $0x3  }
0x33: {  	p0 =	seq.s32 s10, $0x1;
	s10 =	sld [smem:$0x3FB8];
	_ =	sdelay $0x3  }
0x34: {  	[smem:$0x3FB8] =	sst s10  }
0x35: {  	s10 =	sld [smem:$0x3FB7];
	_ =	sdelay $0x3  }
0x36: {  	p1 =	seq.s32 s10, $0x1;
	s10 =	sld [smem:$0x3FB8];
	_ =	sdelay $0x3  }
0x37: {  	[smem:$0x3FB8] =	sst s10  }
0x38: {  	s10 =	sld [smem:$0x3FB9]  }
0x39: {  	_ = 	snop;
	(pc) =	sbr.ind lr, $3  }
0x3a: {  	_ = 	snop  }
0x3b: {  	_ = 	snop  }
0x3c: {  	p2 =	seq.s32 s10, $0x1;
	s10 =	sld [smem:$0x3FB8]  }
0x3d: {  	_ =	shalt  }
0x3e: {  	_ =	shalt  }
0x3f: {  	_ =	shalt  }
0x40: {  	_ =	shalt  }
0x41: {  	_ =	shalt  }
0x42: {  	_ =	shalt  }
0x43: {  	_ =	shalt  }
0x44: {  	_ =	shalt  }
0x45: {  	_ =	shalt  }
0x46: {  	_ =	shalt  }
0x47: {  	_ =	shalt  }
0x48: {  	_ =	shalt  }
0x49: {  	_ =	shalt  }
0x4a: {  	_ =	shalt  }
0x4b: {  	_ =	shalt  }
0x4c: {  	_ =	shalt  }
0x4d: {  	_ =	shalt  }
0x4e: {  	_ =	shalt  }
0x4f: {  	_ =	shalt  }
0x50: {  	_ =	shalt  }
0x51: {  	_ =	shalt  }
0x52: {  	_ =	shalt  }
0x53: {  	_ =	shalt  }
0x54: {  	_ =	shalt  }
0x55: {  	_ =	shalt  }
0x56: {  	_ =	shalt  }
0x57: {  	_ =	shalt  }
0x58: {  	_ =	shalt  }
0x59: {  	_ =	shalt  }
0x5a: {  	_ =	shalt  }
0x5b: {  	_ =	shalt  }
0x5c: {  	_ =	shalt  }
0x5d: {  	_ =	shalt  }
0x5e: {  	_ =	shalt  }
0x5f: {  	_ =	shalt  }
0x60: {  	_ =	shalt  }
0x61: {  	_ =	shalt  }
0x62: {  	_ =	shalt  }
0x63: {  	_ =	shalt  }
0x64: {  	_ =	shalt  }
0x65: {  	_ =	shalt  }
0x66: {  	_ =	shalt  }
0x67: {  	_ =	shalt  }
0x68: {  	_ =	shalt  }
0x69: {  	_ =	shalt  }
0x6a: {  	_ =	shalt  }
0x6b: {  	_ =	shalt  }
0x6c: {  	_ =	shalt  }
0x6d: {  	_ =	shalt  }
0x6e: {  	_ =	shalt  }
0x6f: {  	_ =	shalt  }
0x70: {  	_ =	shalt  }
0x71: {  	_ =	shalt  }
0x72: {  	_ =	shalt  }
0x73: {  	_ =	shalt  }
0x74: {  	_ =	shalt  }
0x75: {  	_ =	shalt  }
0x76: {  	_ =	shalt  }
0x77: {  	_ =	shalt  }
0x78: {  	_ =	shalt  }
0x79: {  	_ =	shalt  }
0x7a: {  	_ =	shalt  }
0x7b: {  	_ =	shalt  }
0x7c: {  	_ =	shalt  }
0x7d: {  	_ =	shalt  }
0x7e: {  	_ =	shalt  }
0x7f: {  	_ =	shalt  }
0x80: {  	_ =	shalt  }
0x81: {  	_ =	shalt  }
0x82: {  	_ =	shalt  }
0x83: {  	_ =	shalt  }
0x84: {  	_ =	shalt  }
0x85: {  	_ =	shalt  }
0x86: {  	_ =	shalt  }
0x87: {  	_ =	shalt  }
.Lfunc_end0:
.L_simem_size_0:
called_computation.1_lowered:
.L_overlay_start_0:
0x88: {  	s2 =	sld [smem:$0x3FD9]  }
0x89: {  	s3 =	sld [smem:$0x3FFE];
	_ =	sdelay $0x1  }
0x8a: {  	s1 =	srdreg.scid  }
0x8b: {  	s0 =	sand.u32 $0x1, s1  }
0x8c: {  	s17 =	sshll.u32 s0, $0xA;
	s2 =	sadd.s32 s3, s2  }
0x8d: {  	s2 =	sadd.s32 s2, s17  }
0x8e: {  	[smem:$0x3FC4] =	sst s2  }
0x8f: {  	_ = 	snop  }
0x90: {  	s2 =	sld [smem:$0x3FD0];
	(tm) =	ssettm $0x1  }
0x91: {  	s18 =	sld [smem:$0x3FFB];
	_ =	sdelay $0x3  }
0x92: {  	_ =	strace s18  }
0x93: {  	s3 =	sld [smem:$0x3FFC];
	_ =	sdelay $0x3  }
0x94: {  	_ =	strace s3  }
0x95: {  	s3 =	sld [smem:$0x3FFD];
	_ =	sdelay $0x3  }
0x96: {  	_ =	strace s3  }
0x97: {  	_ =	strace $0x8FFFFFFF  }
0x98: {  	s19 =	sld [smem:$0x3FDB];
	_ =	sdelay $0x1  }
0x99: {  	s4 =	simm.s32 $_scs_section_size  }
0x9a: {  	s5 =	simm.s32 $_size__tile_overlayer_lowered;
	s6 =	simm.s32 $_tile_overlayer_lowered  }
0x9b: {  	s22 =	simm.s32 $0x1BFF;
	s21 =	sshll.u32 s6, $0x1;
	s3 =	sadd.s32 s4, s19  }
0x9c: {  	s7 =	simm.s32 $0x0;
	s20 =	sshll.u32 s5, $0x1;
	s5 =	sadd.s32 s21, s3  }
0x9d: {  	[timem:s7], [sflag:s22] =	dma.local [hbm:s5], s20  }
0x9e: {  	_ =	swait.ge [sflag:s22], s20  }
0x9f: {  	s4 =	ssub.s32 $0x0, s20;
	[sflag:s22] =	ssyncset.done $0x0  }
0xa0: {  	[sflag:s22] =	ssyncadd.s32 s4;
	_ =	sdelay $0x1  }
0xa1: {  	s23 =	simm.s32 $0x1B8B  }
0xa2: {  	_ =	swait.ge [sflag:s23], $0x1  }
0xa3: {  	[sflag:s23] =	ssyncset.done $0x0  }
0xa4: {  	s25 =	simm.s32 $0x1B8E;
	s24 =	sld [smem:$0x3FFE];
	[sflag:s23] =	ssyncadd.s32 $0xFFFFFFFF  }
0xa5: {  	s26 =	simm.s32 $execute0_lowered;
	[smem:$0x3FD2] =	sst s25  }
0xa6: {  	s5 =	sshll.u32 s26, $0x1;
	_ =	strace $0x80000049;
	[dreg:$0x1] =	wrdreg $0xFFFFFFFF  }
0xa7: {  	s28 =	simm.s32 $_size_execute0_lowered;
	s3 =	sadd.s32 s3, s5;
	[dreg:$0x0] =	wrdreg $0x0  }
0xa8: {  	s5 =	sshll.u32 s28, $0x1;
	[dreg:$0x2] =	wrdreg s3  }
0xa9: {  	[dreg:$0x3] =	wrdreg s5  }
0xaa: {  	[dreg:$0x4] =	wrdreg $0xC0  }
0xab: {  	_ =	task [dreg:s7], $0x5FFFF  }
0xac: {  	[dreg:$0x1] =	wrdreg $0xFFFFFFFF  }
0xad: {  	[dreg:$0x0] =	wrdreg $0x60  }
0xae: {  	[dreg:$0x2] =	wrdreg s2  }
0xaf: {  	[dreg:$0x3] =	wrdreg s24  }
0xb0: {  	[dreg:$0x4] =	wrdreg $0x161000  }
0xb1: {  	[dreg:$0x5] =	wrdreg $0x9  }
0xb2: {  	_ =	task.clear_ibuf [dreg:s7], $0x6FFFF;
	_ =	strace $0x90000049  }
0xb3: {  	s29 =	simm.s32 $0x9;
	_ =	strace $0x8000004B  }
0xb4: {  	_ =	swait.ge [sflag:s29], $0x1  }
0xb5: {  	[sflag:s29] =	ssyncadd.s32 $0xFFFFFFFF  }
0xb6: {  	_ =	strace $0x9000004B  }
0xb7: {  	_ =	sfence  }
0xb8: {  	s30 =	sld [smem:$0x0];
	_ =	sdelay $0x2  }
0xb9: {  	s31 =	sshll.u32 s1, $0xD;
	s1 =	sshrl.u32 s1, $0x2  }
0xba: {  	s3 =	sand.u32 $0x4000, s31;
	s1 =	sadd.s32 s1, s30  }
0xbb: {  	s0 =	sor.u32 s3, s0;
	s1 =	sshll.u32 s1, $0x11  }
0xbc: {  	s0 =	sor.u32 s1, s0  }
0xbd: {  	s0 =	sadd.s32 $0x8F2B, s0  }
0xbe: {  	[sflag:s0] =	ssyncadd.remote.s32 $0x1  }
0xbf: {  	_ =	sfence.sel $0xFFFF  }
0xc0: {  	[dreg:$0x0] =	wrdreg $0xFFFFFFFF;
	(pc) =	sbr.abs _section_cstart, $3  }
0xc1: {  	[dreg:$0x1] =	wrdreg $0xFFFFFFFF  }
0xc2: {  	_ =	task.clear_ibuf [dreg:s7], $0x2FFFF;
	_ =	strace $0x9FFFFFFF  }
0xc3: {  	(tm) =	ssettm $0x7FFFFFFF  }
tec
execute0_lowered:
.L_overlay_start_1:
0x0: {  	(tag) =	ssettag $0x1  }
0x1: {  	s1 =	rddreg [dreg:$0x0]  }
0x2: {  	s0 =	srdreg.scid;
	s2 =	rddreg [dreg:$0x1]  }
0x3: {  	s11 =	stileid.u32;
	s3 =	rddreg [dreg:$0x2]  }
0x4: {  	s12 =	simm.s32 $0x0;
	s15 =	simm.s32 $0x7;
	s24 =	simm.s32 $0xB800  }
0x5: {  	s18 =	simm.s32 $0x70;
	s19 =	simm.s32 $0xB900;
	s20 =	simm.s32 $0xF100  }
0x6: {  	s21 =	simm.s32 $0x12900;
	s28 =	simm.s32 $0x3;
	s5 =	smul.u32 $0x5C00, s11  }
0x7: {  	s29 =	simm.s32 $0x0;
	s0 =	sand.u32 $0x1, s0;
	s6 =	smul.u32 $0x28000, s11  }
0x8: {  	[smem:$0x7FF] =	sst s12;
	s25 =	sshll.u32 s11, $0x5;
	s30 =	smul.u32 $0x1400, s11  }
0x9: {  	s13 =	sadd.s32 $0x1600, s2;
	s9 =	sadd.s32 $0x96000, s3;
	s4 =	smul.u32 $0x5C000, s0  }
0xa: {  	p0 =	seq.s32 s11, $0xF;
	_ =	strace $0x8000004A;
	s26 =	smul.u32 $0x13880, s0  }
0xb: {  	s7 =	ssub.s32 $0x2, s0;
	s10 =	sshll.u32 s0, $0x9;
	s0 =	smul.u32 $0x9C400, s0  }
0xc: {  	s9 =	sshrl.u32 @p0 s9, $0x3;
	[dreg:$0x4] =	wrdreg s13;
	s8 =	sshrl.u32 s7, $0x1  }
0xd: {  	s6 =	sshrl.u32 s6, $0x2;
	[dreg:$0xb] =	wrdreg s9;
	s4 =	sadd.s32 s5, s4  }
0xe: {  	s5 =	sadd.s32 s25, s2;
	s7 =	ssub.s32 s7, s8;
	s6 =	sadd.s32 s6, s3  }
0xf: {  	s0 =	sshrl.u32 s0, $0x3;
	s31 =	sadd.s32 s30, s26;
	s25 =	simm.s32 $0x1  }
0x10: {  	s4 =	sshrl.u32 s4, $0x3;
	s5 =	sadd.s32 s10, s5;
	s7 =	smax.u32 s7, $0x1  }
0x11: {  	s4 =	sadd.s32 s4, s2;
	s23 =	sadd.s32 $0x29800, s5;
	[dreg:$0xa] =	wrdreg s7  }
0x12: {  	s2 =	sadd.s32 $0x57C00, s2;
	s17 =	sadd.s32 $0x29C00, s4;
	[dreg:$0x7] =	wrdreg s23  }
.Ltmp0:
0x13: {  	s22 =	sadd.s32 $0x40C00, s4;
	[dreg:$0x5] =	wrdreg s17;
	(pc) =	sbr.rel .LBB2_1-.Ltmp0, $4  }
0x14: {  	s0 =	sadd.s32 s2, s0;
	s8 =	sadd.s32 s2, s31;
	[dreg:$0x6] =	wrdreg s22  }
0x15: {  	s10 =	sadd.s32 $0x12C00, s0;
	s0 =	sshll.u32 @!p0 s11, $0x6;
	[dreg:$0x8] =	wrdreg s8  }
0x16: {  	s26 =	simm.s32 $0x2;
	s11 =	sor.u32 @!p0 $0x1C07, s0;
	[dreg:$0x9] =	wrdreg s10  }
0x17: {  	s14 =	sshrl.u32 @!p0 s6, $0x3;
	s6 =	simm.s32 $0x5C00;
	[dreg:$0xc] =	wrdreg s11  }
.LBB2_5:
0x18: {  	(ifvalue) =	ssetifvalue @!p1 $0xFFFFFFFF  }
0x19: {  	(ifvalue) =	ssetifvalue @!p1 $0xFFFFFFFF  }
0x1a: {  	[tilespmem:s2], [sflag:$0x1] =	stream.indirect.gather @!p1 [hbm4b:s1+s5], $0x80, s10, s5, $0x40b8;
	[tilespmem:$0x1FD40] =	vst v63  }
0x1b: {  	_ =	swait.ge @!p2 [sflag:s9], $0x3800  }
0x1c: {  	[sflag:s9] =	ssyncset.done @!p2 $0x0  }
0x1d: {  	p1 =	sge.s32 s7, s16;
	[sflag:s9] =	ssyncadd.s32 @!p2 $0xFFFFC800;
	(ifvalue) =	ssetifvalue @!p2 $0xFFFFFFFF  }
0x1e: {  	s2 =	simm.s32 @!p1 $0x6;
	(ifvalue) =	ssetifvalue @!p2 $0xFFFFFFFF  }
0x1f: {  	[tilespmem:s4], [sflag:$0x2] =	stream.indirect.gather @!p2 [hbm4b:s1+s11], $0x80, s8, s11, $0x40b8;
	[tilespmem:$0x1FD40] =	vst v63  }
0x20: {  	_ =	swait.ge @!p1 [sflag:s2], $0x3800  }
0x21: {  	[sflag:s2] =	ssyncset.done @!p1 $0x0  }
0x22: {  	[sflag:s2] =	ssyncadd.s32 @!p1 $0xFFFFC800;
	(ifvalue) =	ssetifvalue @!p1 $0xFFFFFFFF  }
0x23: {  	(ifvalue) =	ssetifvalue @!p1 $0xFFFFFFFF;
	s13 =	rddreg [dreg:$0x4]  }
0x24: {  	p2 =	slt.s32 @!p1 s7, s0;
	s0 =	sadd.s32 @!p1 s24, s17;
	s17 =	rddreg [dreg:$0x5]  }
0x25: {  	s22 =	rddreg [dreg:$0x6]  }
0x26: {  	s23 =	rddreg [dreg:$0x7]  }
0x27: {  	p2 =	por !p2, p1;
	s0 =	sadd.s32 @!p1 $0x5F, s0;
	s8 =	rddreg [dreg:$0x8]  }
0x28: {  	s12 =	simm.s32 $0x0;
	s7 =	smov.u32 @p2 s0;
	s10 =	rddreg [dreg:$0x9]  }
0x29: {  	s6 =	simm.s32 $0x5C00;
	s2 =	sshll.u32 @!p1 s7, $0x9;
	s7 =	rddreg [dreg:$0xa]  }
0x2a: {  	s4 =	simm.s32 @!p1 $0x12900;
	s24 =	simm.s32 $0xB800;
	s9 =	rddreg [dreg:$0xb]  }
0x2b: {  	s0 =	simm.s32 @!p1 $0x70;
	s2 =	sshra.s32 @!p1 s2, $0x2;
	s11 =	rddreg [dreg:$0xc]  }
0x2c: {  	[tilespmem:s4], [sflag:$0x3] =	stream.indirect.gather @!p1 [hbm4b:s1+s0], $0x80, s2, s0, $0x40b8;
	[tilespmem:$0x1FD40] =	vst v63  }
.LBB2_6:
0x2d: {  	s0 =	simm.s32 $0x4  }
0x2e: {  	_ =	swait.ge [sflag:s0], $0x3800  }
0x2f: {  	[sflag:s0] =	ssyncset.done $0x0  }
0x30: {  	s5 =	simm.s32 $0x5;
	[sflag:s0] =	ssyncadd.s32 $0xFFFFC800  }
0x31: {  	_ =	swait.ge [sflag:s5], $0x3800  }
0x32: {  	[sflag:s5] =	ssyncset.done $0x0  }
0x33: {  	s16 =	simm.s32 $0x6;
	[sflag:s5] =	ssyncadd.s32 $0xFFFFC800  }
0x34: {  	_ =	swait.ge [sflag:s16], $0x3800  }
0x35: {  	[sflag:s16] =	ssyncset.done $0x0  }
0x36: {  	s5 =	simm.s32 @p0 $0x1FC7;
	[sflag:s16] =	ssyncadd.s32 $0xFFFFC800  }
.LBB2_7:
0x37: {  	[bflag:$0x0] =	sbarrier.arrive $0xFFFF  }
0x38: {  	[hbm:s10], [sflag:s5] =	dma.local @p0 [spmem:s9], $0xC80  }
0x39: {  	s29 =	sadd.s32 $0x1, s29;
	_ =	swait.ge @p0 [sflag:s31], $0xC80  }
0x3a: {  	p1 =	sne.s32 s29, s7;
	[sflag:s31] =	ssyncset.done @p0 $0x0  }
.Ltmp1:
0x3b: {  	[sflag:s31] =	ssyncadd.s32 @p0 $0xFFFFF380;
	(pc) =	sbr.rel @!p1 .LBB2_8-.Ltmp1, $4  }
0x3c: {  	[hbm:s8], [sflag:s11] =	dma.local @!p0 [spmem:s14], $0x1400  }
0x3d: {  	_ =	swait.ge @!p0 [sflag:s30], $0x1400  }
0x3e: {  	[sflag:s30] =	ssyncset.done @!p0 $0x0  }
0x3f: {  	[sflag:s30] =	ssyncadd.s32 @!p0 $0xFFFFEC00  }
.LBB2_1:
0x40: {  	s5 =	simm.s32 @p0 $0x1FC7;
	s31 =	simm.s32 @p0 $0x7  }
0x41: {  	[spmem:s9], [sflag:s5] =	dma.local @p0 [hbm:s13], $0xC80  }
0x42: {  	_ =	swait.ge @p0 [sflag:s31], $0xC80  }
0x43: {  	[sflag:s31] =	ssyncset.done @p0 $0x0  }
0x44: {  	s30 =	simm.s32 @!p0 $0x7;
	[sflag:s31] =	ssyncadd.s32 @p0 $0xFFFFF380  }
0x45: {  	[spmem:s14], [sflag:s11] =	dma.local @!p0 [hbm:s13], $0x1400  }
0x46: {  	_ =	swait.ge @!p0 [sflag:s30], $0x1400  }
0x47: {  	[sflag:s30] =	ssyncset.done @!p0 $0x0  }
0x48: {  	[sflag:s30] =	ssyncadd.s32 @!p0 $0xFFFFEC00  }
0x49: {  	[tilespmem:s12], [sflag:$0x7] =	stream.linear.gather [hbm4b:s17+s12], $0x5A00, $0x38;
	[tilespmem:$0x1FD40] =	vst v63  }
0x4a: {  	_ =	swait.ge [sflag:s15], $0x5A00  }
0x4b: {  	[sflag:s15] =	ssyncset.done $0x0  }
0x4c: {  	[sflag:s15] =	ssyncadd.s32 $0xFFFFA600  }
0x4d: {  	[tilespmem:s6], [sflag:$0x7] =	stream.linear.gather [hbm4b:s22+s12], $0x5A00, $0x38;
	[tilespmem:$0x1FD40] =	vst v63  }
0x4e: {  	_ =	swait.ge [sflag:s15], $0x5A00  }
0x4f: {  	[sflag:s15] =	ssyncset.done $0x0  }
0x50: {  	[sflag:s15] =	ssyncadd.s32 $0xFFFFA600  }
0x51: {  	[tilespmem:s24], [sflag:$0x7] =	stream.linear.gather [hbm4b:s23+s12], $0x100, $0x38;
	[tilespmem:$0x1FD40] =	vst v63  }
0x52: {  	_ =	swait.ge [sflag:s15], $0x100  }
0x53: {  	[sflag:s15] =	ssyncset.done $0x0  }
0x54: {  	[sflag:s15] =	ssyncadd.s32 $0xFFFFFF00  }
0x55: {  	[bflag:$0x0] =	sbarrier.arrive $0xFFFF  }
0x56: {  	v0 =	vld [tilespmem:$0xB800]  }
0x57: {  	v1 =	vld [tilespmem:$0xB880];
	_ =	sdelay $0x3  }
0x58: {  	v0 =	vxor.u32 $0x80000000, v0  }
0x59: {  	v61 =	vxor.u32 $0x80000000, v1;
	(xrf0) =	vmax.scan.msk.u32 $0xffff, v0  }
0x5a: {  	(xrf0) =	vmax.scan.msk.u32 $0xffff, v61;
	_ =	sdelay $0x4  }
0x5b: {  	v62, _, _ =	vpop (xrf0)  }
0x5c: {  	(v2sf) =	vpush v62, $0xF;
	v63, _, _ =	vpop (xrf0)  }
0x5d: {  	(v2sf) =	vpush v63, $0xF;
	_ =	sdelay $0xd  }
0x5e: {  	s4 =	spop (v2sf)  }
0x5f: {  	s0 =	sxor.u32 $0x80000000, s4;
	s2 =	spop (v2sf)  }
0x60: {  	s2 =	sadd.s32 s2, s0  }
0x61: {  	s16 =	sadd.s32 $0x80000000, s2  }
0x62: {  	p1 =	slt.s32 s16, $0x1  }
.Ltmp2:
0x63: {  	_ = 	snop;
	(pc) =	sbr.rel @p1 .LBB2_7-.Ltmp2, $1  }
0x64: {  	_ =	sdelay $0x3  }
0x65: {  	s2 =	sshll.u32 s4, $0x9  }
0x66: {  	p1 =	sgt.s32 s0, $0x0;
	s5 =	ssub.s32 $0xB400, s2  }
0x67: {  	(ifvalue) =	ssetifvalue $0xFFFFFFFF;
	s5 =	simm.s32 @p1 $0x0  }
0x68: {  	(ifvalue) =	ssetifvalue $0xFFFFFFFF;
	s5 =	sshra.s32 s5, $0x2  }
0x69: {  	[tilespmem:s19], [sflag:$0x1] =	stream.indirect.gather [hbm4b:s1+s18], $0x80, s5, s18, $0x40b8;
	[tilespmem:$0x1FD40] =	vst v63  }
0x6a: {  	p1 =	sgt.s32 s0, $0x1;
	s5 =	ssub.s32 $0xB600, s2  }
0x6b: {  	s2 =	ssub.s32 $0xB800, s2;
	s5 =	simm.s32 @p1 $0x200;
	p1 =	sgt.s32 s0, $0x2  }
0x6c: {  	(ifvalue) =	ssetifvalue $0xFFFFFFFF;
	s2 =	simm.s32 @p1 $0x400;
	p1 =	slt.u32 s16, $0x3  }
.Ltmp3:
0x6d: {  	(ifvalue) =	ssetifvalue $0xFFFFFFFF;
	s5 =	sshra.s32 s5, $0x2;
	(pc) =	sbr.rel @p1 .LBB2_6-.Ltmp3, $4  }
0x6e: {  	[tilespmem:s20], [sflag:$0x2] =	stream.indirect.gather [hbm4b:s1+s18], $0x80, s5, s18, $0x40b8;
	[tilespmem:$0x1FD40] =	vst v63  }
0x6f: {  	(ifvalue) =	ssetifvalue $0xFFFFFFFF  }
0x70: {  	s2 =	sshra.s32 s2, $0x2;
	(ifvalue) =	ssetifvalue $0xFFFFFFFF  }
0x71: {  	[tilespmem:s21], [sflag:$0x3] =	stream.indirect.gather [hbm4b:s1+s18], $0x80, s2, s18, $0x40b8;
	[tilespmem:$0x1FD40] =	vst v63  }
0x72: {  	s2 =	smulhi.u32 $0xAAAAAAAB, s16;
	s17 =	ssub.s32 $0x0, s4;
	s24 =	simm.s32 $0x0  }
0x73: {  	p1 =	sgt.s32 s0, $0x0;
	s7 =	simm.s32 $0x2;
	s8 =	simm.s32 $0x1  }
0x74: {  	_ =	swait.ge [sflag:s25], $0x3800;
	s22 =	simm.s32 $0x3;
	s4 =	sadd.s32 $0x0, s17  }
0x75: {  	[sflag:s25] =	ssyncset.done $0x0;
	s2 =	sshrl.u32 s2, $0x1;
	s5 =	sadd.s32 $0x5C, s4  }
0x76: {  	s6 =	sadd.s32 $0x5A, s4;
	s4 =	sadd.s32 $0x5B, s4;
	[sflag:s25] =	ssyncadd.s32 $0xFFFFC800  }
0x77: {  	(ifvalue) =	ssetifvalue $0xFFFFFFFF;
	s6 =	smov.u32 @p1 s24;
	p1 =	sgt.s32 s0, $0x2  }
0x78: {  	s23 =	sadd.s32 $0xFFFFFFFF, s2;
	s5 =	smov.u32 @p1 s7;
	p1 =	sgt.s32 s0, $0x1  }
0x79: {  	s6 =	sshll.u32 s6, $0x9;
	s5 =	sshll.u32 s5, $0x9;
	s4 =	smov.u32 @p1 s8  }
0x7a: {  	s6 =	sshra.s32 s6, $0x2;
	p1 =	sle.s32 s16, $0x3;
	s5 =	sshra.s32 s5, $0x2  }
0x7b: {  	s6 =	sadd.s32 $0x5C00, s6;
	s4 =	sshll.u32 s4, $0x9;
	p2 =	sgt.s32 @!p1 s0, $0x3  }
0x7c: {  	[spmem:s3] =	stream.indirect.scatter.add.f32 [tilespmem:s19], [sflag:$0x4], $0x80, s6, s18, $0x40b8;
	[tilespmem:$0x1FD40] =	vst v63  }
0x7d: {  	s7 =	sadd.s32 @!p1 $0x0, s17;
	s4 =	sshra.s32 s4, $0x2;
	p3 =	por !p2, p1  }
0x7e: {  	s6 =	simm.s32 $0x4;
	p2 =	sle.s32 s16, $0x4;
	s13 =	sadd.s32 $0x5C00, s5  }
0x7f: {  	s5 =	simm.s32 @!p1 $0x70;
	_ =	swait.ge [sflag:s26], $0x3800;
	s12 =	sadd.s32 $0x5C00, s4  }
0x80: {  	s4 =	sadd.s32 @!p1 $0x5D, s7;
	s7 =	simm.s32 $0x3;
	s9 =	simm.s32 @!p2 $0x5  }
0x81: {  	s11 =	simm.s32 @!p2 $0x70;
	[sflag:s26] =	ssyncset.done $0x0;
	s7 =	smov.u32 @p3 s4  }
0x82: {  	p3 =	sgt.s32 @!p2 s0, $0x4;
	s4 =	sadd.s32 @!p2 $0x0, s17;
	[sflag:s26] =	ssyncadd.s32 $0xFFFFC800  }
0x83: {  	(ifvalue) =	ssetifvalue $0xFFFFFFFF;
	s4 =	sadd.s32 @!p2 $0x5E, s4;
	p3 =	por !p3, p2  }
0x84: {  	[spmem:s3] =	stream.indirect.scatter.add.f32 [tilespmem:s20], [sflag:$0x5], $0x80, s12, s18, $0x40b8;
	[tilespmem:$0x1FD40] =	vst v63  }
0x85: {  	s2 =	sshll.u32 @!p1 s7, $0x9;
	s6 =	smov.u32 @p3 s4;
	_ =	swait.ge [sflag:s28], $0x3800  }
0x86: {  	p3 =	seq.s32 s23, $0x0;
	s4 =	simm.s32 @!p1 $0x4;
	[sflag:s28] =	ssyncset.done $0x0  }
.Ltmp4:
0x87: {  	[sflag:s28] =	ssyncadd.s32 $0xFFFFC800;
	(ifvalue) =	ssetifvalue $0xFFFFFFFF;
	(pc) =	sbr.rel @p3 .LBB2_5-.Ltmp4, $4  }
0x88: {  	[spmem:s3] =	stream.indirect.scatter.add.f32 [tilespmem:s21], [sflag:$0x6], $0x80, s13, s18, $0x40b8;
	[tilespmem:$0x1FD40] =	vst v63  }
0x89: {  	s7 =	simm.s32 $0x5;
	s10 =	sshra.s32 @!p1 s2, $0x2;
	_ =	swait.ge @!p1 [sflag:s4], $0x3800  }
0x8a: {  	s2 =	simm.s32 @!p1 $0xB900;
	s6 =	sshll.u32 @!p2 s6, $0x9;
	[sflag:s4] =	ssyncset.done @!p1 $0x0  }
0x8b: {  	s8 =	sshra.s32 @!p2 s6, $0x2;
	[sflag:s4] =	ssyncadd.s32 @!p1 $0xFFFFC800;
	s4 =	simm.s32 @!p2 $0xF100  }
.LBB2_4:
0x8c: {  	s12 =	sadd.s32 s22, s17;
	(ifvalue) =	ssetifvalue @!p1 $0xFFFFFFFF  }
0x8d: {  	p3 =	sge.s32 s7, s16;
	s6 =	smov.u32 s22;
	s23 =	sadd.s32 $0xFFFFFFFF, s23  }
0x8e: {  	s13 =	sadd.s32 $0x5C, s12;
	(ifvalue) =	ssetifvalue @!p1 $0xFFFFFFFF;
	p4 =	slt.s32 @!p3 s7, s0  }
0x8f: {  	[tilespmem:s2], [sflag:$0x1] =	stream.indirect.gather @!p1 [hbm4b:s1+s5], $0x80, s10, s5, $0x40b8;
	[tilespmem:$0x1FD40] =	vst v63  }
0x90: {  	p1 =	slt.s32 s22, s0;
	s2 =	sadd.s32 $0x5A, s12;
	_ =	swait.ge @!p2 [sflag:s9], $0x3800  }
0x91: {  	s5 =	sadd.s32 @!p3 s24, s17;
	s2 =	smov.u32 @p1 s22;
	[sflag:s9] =	ssyncset.done @!p2 $0x0  }
0x92: {  	s10 =	sadd.s32 $0x1, s22;
	s2 =	sshll.u32 s2, $0x9;
	[sflag:s9] =	ssyncadd.s32 @!p2 $0xFFFFC800  }
0x93: {  	p1 =	slt.s32 s10, s0;
	s9 =	sadd.s32 $0x5B, s12;
	(ifvalue) =	ssetifvalue @!p2 $0xFFFFFFFF  }
0x94: {  	s12 =	simm.s32 @!p3 $0x6;
	s9 =	smov.u32 @p1 s10;
	s10 =	sadd.s32 $0x2, s22  }
0x95: {  	p4 =	por !p4, p3;
	p1 =	slt.s32 s10, s0;
	(ifvalue) =	ssetifvalue @!p2 $0xFFFFFFFF  }
0x96: {  	[tilespmem:s4], [sflag:$0x2] =	stream.indirect.gather @!p2 [hbm4b:s1+s11], $0x80, s8, s11, $0x40b8;
	[tilespmem:$0x1FD40] =	vst v63  }
0x97: {  	s13 =	smov.u32 @p1 s10;
	s4 =	sadd.s32 @!p3 $0x5F, s5;
	_ =	swait.ge @!p3 [sflag:s12], $0x3800  }
0x98: {  	s5 =	sshll.u32 s13, $0x9;
	s7 =	smov.u32 @p4 s4;
	[sflag:s12] =	ssyncset.done @!p3 $0x0  }
0x99: {  	s8 =	sshra.s32 s5, $0x2;
	s4 =	simm.s32 @!p3 $0x70;
	[sflag:s12] =	ssyncadd.s32 @!p3 $0xFFFFC800  }
0x9a: {  	s5 =	sshll.u32 @!p3 s7, $0x9;
	s7 =	simm.s32 @!p3 $0x12900;
	(ifvalue) =	ssetifvalue @!p3 $0xFFFFFFFF  }
0x9b: {  	s2 =	sshra.s32 s2, $0x2;
	s5 =	sshra.s32 @!p3 s5, $0x2;
	(ifvalue) =	ssetifvalue @!p3 $0xFFFFFFFF  }
0x9c: {  	[tilespmem:s7], [sflag:$0x3] =	stream.indirect.gather @!p3 [hbm4b:s1+s4], $0x80, s5, s4, $0x40b8;
	[tilespmem:$0x1FD40] =	vst v63  }
0x9d: {  	s2 =	sadd.s32 $0x5C00, s2;
	s22 =	sadd.s32 $0x3, s22;
	_ =	swait.ge [sflag:s25], $0x3800  }
0x9e: {  	p1 =	sge.s32 s22, s16;
	s4 =	sshll.u32 s9, $0x9;
	[sflag:s25] =	ssyncset.done $0x0  }
0x9f: {  	p2 =	slt.s32 @!p1 s22, s0;
	s4 =	sshra.s32 s4, $0x2;
	[sflag:s25] =	ssyncadd.s32 $0xFFFFC800  }
0xa0: {  	p2 =	por !p2, p1;
	s5 =	sadd.s32 @!p1 s6, s17;
	(ifvalue) =	ssetifvalue $0xFFFFFFFF  }
0xa1: {  	[spmem:s3] =	stream.indirect.scatter.add.f32 [tilespmem:s19], [sflag:$0x4], $0x80, s2, s18, $0x40b8;
	[tilespmem:$0x1FD40] =	vst v63  }
0xa2: {  	s2 =	sadd.s32 $0x5C00, s4;
	s4 =	sadd.s32 @!p1 $0x5D, s5;
	_ =	swait.ge [sflag:s26], $0x3800  }
0xa3: {  	s7 =	smov.u32 s22;
	s5 =	sadd.s32 $0x4, s6;
	[sflag:s26] =	ssyncset.done $0x0  }
0xa4: {  	s7 =	smov.u32 @p2 s4;
	p2 =	sge.s32 s5, s16;
	[sflag:s26] =	ssyncadd.s32 $0xFFFFC800  }
0xa5: {  	s4 =	sshll.u32 @!p1 s7, $0x9;
	p3 =	slt.s32 @!p2 s5, s0;
	s7 =	sadd.s32 @!p2 s6, s17  }
0xa6: {  	s7 =	sadd.s32 @!p2 $0x5E, s7;
	p3 =	por !p3, p2;
	(ifvalue) =	ssetifvalue $0xFFFFFFFF  }
0xa7: {  	s24 =	smov.u32 s6;
	s5 =	smov.u32 @p3 s7;
	p3 =	seq.s32 s23, $0x0  }
0xa8: {  	[spmem:s3] =	stream.indirect.scatter.add.f32 [tilespmem:s20], [sflag:$0x5], $0x80, s2, s18, $0x40b8;
	[tilespmem:$0x1FD40] =	vst v63  }
0xa9: {  	s6 =	simm.s32 @!p1 $0x4;
	s10 =	sshra.s32 @!p1 s4, $0x2;
	_ =	swait.ge [sflag:s28], $0x3800  }
0xaa: {  	s4 =	sshll.u32 @!p2 s5, $0x9;
	[sflag:s28] =	ssyncset.done $0x0  }
0xab: {  	s9 =	simm.s32 @!p2 $0x5;
	[sflag:s28] =	ssyncadd.s32 $0xFFFFC800  }
.Ltmp5:
0xac: {  	s2 =	sadd.s32 $0x5C00, s8;
	(ifvalue) =	ssetifvalue $0xFFFFFFFF;
	(pc) =	sbr.rel @!p3 .LBB2_4-.Ltmp5, $4  }
0xad: {  	[spmem:s3] =	stream.indirect.scatter.add.f32 [tilespmem:s21], [sflag:$0x6], $0x80, s2, s18, $0x40b8;
	[tilespmem:$0x1FD40] =	vst v63  }
0xae: {  	s7 =	sadd.s32 $0x5, s24;
	s2 =	simm.s32 @!p1 $0xB900;
	_ =	swait.ge @!p1 [sflag:s6], $0x3800  }
0xaf: {  	s5 =	simm.s32 @!p1 $0x70;
	s8 =	sshra.s32 @!p2 s4, $0x2;
	[sflag:s6] =	ssyncset.done @!p1 $0x0  }
0xb0: {  	s11 =	simm.s32 @!p2 $0x70;
	s4 =	simm.s32 @!p2 $0xF100;
	[sflag:s6] =	ssyncadd.s32 @!p1 $0xFFFFC800  }
.Ltmp6:
0xb1: {  	_ = 	snop;
	(pc) =	sbr.rel .LBB2_5-.Ltmp6, $1  }
0xb2: {  	_ =	sdelay $0x3  }
.LBB2_8:
0xb3: {  	_ =	sfence.sel $0x180000  }
0xb4: {  	[bflag:$0x0] =	sbarrier.arrive $0xFFFF  }
0xb5: {  	_ =	strace $0x9000004A  }
0xb6: {  	s0 =	stileid.u32;
	[bflag:$0x2] =	sbarrier.arrive $0xFFFF  }
0xb7: {  	p0 =	sne.s32 s0, $0x0;
	s0 =	rddreg [dreg:$0x3]  }
0xb8: {  	s0 =	sadd.s32 @!p0 $0x100000, s0  }
0xb9: {  	[sflag:s0] =	ssyncadd.tile.s32 @!p0 $0x1;
	_ =	shalt  }
.Lfunc_end2:
_tile_overlayer_lowered:
.L_overlay_start_2:
0xba: {  	(tag) =	ssettag $0x2  }
0xbb: {  	s0 =	rddreg [dreg:$0x0];
	s2 =	stileid.u32  }
0xbc: {  	s1 =	rddreg [dreg:$0x1];
	p0 =	sne.s32 s2, $0x0  }
0xbd: {  	s3 =	rddreg [dreg:$0x2];
	[bflag:$0x3] =	sbarrier.arrive $0xFFFF;
	s2 =	simm.s32 @!p0 $0x1C07  }
0xbe: {  	[timem:s3], [sflag:s2] =	dma.local @!p0 [hbm:s0], s1  }
0xbf: {  	s0 =	simm.s32 @!p0 $0x7  }
0xc0: {  	_ =	swait.ge @!p0 [sflag:s0], s1  }
0xc1: {  	s1 =	ssub.s32 @!p0 $0x0, s1;
	[sflag:s0] =	ssyncset.done @!p0 $0x0  }
0xc2: {  	[sflag:s0] =	ssyncadd.s32 @!p0 s1  }
0xc3: {  	[bflag:$0x3] =	sbarrier.arrive $0xFFFF  }
0xc4: {  	_ =	shalt  }

</sc_bundles>
